<compile_context>
chip_gen: v7x
topology: tpu7x:2x2x1
jax: 0.10.2.dev20260603
libtpu: 0.0.44.dev20260713+nightly
codegen_flags: <defaults>
</compile_context>

<pallas_src>
import math
import jax
import jax.numpy as jnp
from jax.experimental import pallas as pl
from jax.experimental.pallas import tpu as pltpu

_D = 1024; _DK = 16; _DV = 16; _DKP = 2 * _DK
_EQ = 8; _EK = 8; _NM = 4; _R = max(_DK // 4, 1)
_DALPHA = int(_DK * 1.618); _CONCAT = _EK * _DV; _DPG = int(_CONCAT * 0.618)
_Q_TP = 0.8; _Q_MK = 2; _KV_TP = 0.8; _KV_MK = 2


def _sinkhorn_knopp(M, n_iters=6):
    M = jnp.exp(M)
    for _ in range(n_iters):
        M = M / M.sum(axis=-1, keepdims=True)
        M = M / M.sum(axis=-2, keepdims=True)
    return M


def _rms_norm(x, scale):
    return x * jax.lax.rsqrt(jnp.mean(x * x, axis=-1, keepdims=True) + 1e-6) * scale


def _top_prob_max_k(logits, threshold, max_k):
    probs = jax.nn.softmax(logits, axis=-1)
    sorted_idx = jnp.argsort(-probs, axis=-1)
    sorted_p = jnp.take_along_axis(probs, sorted_idx, axis=-1)
    cumsum = jnp.cumsum(sorted_p, axis=-1)
    ar = jnp.arange(logits.shape[-1])
    mask = (cumsum - sorted_p < threshold) & (ar < max_k)
    mask = mask.at[..., 0].set(True)
    selected = sorted_p * mask.astype(sorted_p.dtype)
    inv = jnp.argsort(sorted_idx, axis=-1)
    return jnp.take_along_axis(selected, inv, axis=-1)


def _mhc_forward(x_normed_all, mp, e):
    x = x_normed_all * mp['scale'][e]
    B, T, _ = x.shape
    H_pre = jax.nn.sigmoid(mp['a_pre'][e] * (x @ mp['phi_pre'][e]) + mp['b_pre'][e])
    H_post = 2.0 * jax.nn.sigmoid(mp['a_post'][e] * (x @ mp['phi_post'][e]) + mp['b_post'][e])
    H_res_raw = (mp['a_res'][e] * (x @ mp['phi_res'][e])).reshape(B, T, _NM, _NM) + mp['b_res'][e]
    return _sinkhorn_knopp(H_res_raw), H_pre, H_post


def _apply_pope(x, positions, freqs, delta_raw, is_query):
    mu = jax.nn.softplus(x)
    phi = positions[:, None] * freqs[None, :]
    if not is_query:
        phi = phi - 2.0 * math.pi * jax.nn.sigmoid(delta_raw)
    return jnp.concatenate([mu * jnp.cos(phi), mu * jnp.sin(phi)], axis=-1)


def _kda_kernel(q_ref, k_ref, v_ref, a_ref, b_ref, out_ref, S_ref):
    @pl.when(pl.program_id(0) == 0)
    def _init():
        S_ref[...] = jnp.zeros_like(S_ref)

    CT = q_ref.shape[0]

    def step(t, carry):
        q_t = q_ref[pl.ds(t, 1)][0]
        k_t = k_ref[pl.ds(t, 1)][0]
        v_t = v_ref[pl.ds(t, 1)][0]
        a_t = a_ref[pl.ds(t, 1)][0]
        b_t = b_ref[pl.ds(t, 1)][0]
        S = S_ref[...]
        aS = a_t[:, :, None] * S
        kt_aS = jnp.sum(k_t[:, :, None] * aS, axis=1)
        bk = b_t[:, None, None] * k_t[:, :, None]
        S_new = aS + bk * (v_t[:, None, :] - kt_aS[:, None, :])
        out_t = jnp.sum(q_t[:, :, None] * S_new, axis=1)
        out_ref[pl.ds(t, 1)] = out_t[None]
        S_ref[...] = S_new
        return carry

    jax.lax.fori_loop(0, CT, step, 0)


def _kda_all_experts(q_total, k_all, v_all, a_all, b_all):
    EK, B, T, DKP = k_all.shape
    DV = v_all.shape[-1]
    EB = EK * B
    q_tiled = jnp.broadcast_to(q_total[None], (EK, B, T, DKP))

    def to_tfirst(x):
        return jnp.transpose(x, (2, 0, 1, 3)).reshape(T, EB, x.shape[-1])

    q_in = to_tfirst(q_tiled)
    k_in = to_tfirst(k_all)
    v_in = to_tfirst(v_all)
    a_in = to_tfirst(a_all)
    b_in = jnp.transpose(b_all, (2, 0, 1)).reshape(T, EB)

    CT = 256
    nchunks = T // CT
    out = pl.pallas_call(
        _kda_kernel,
        grid=(nchunks,),
        in_specs=[
            pl.BlockSpec((CT, EB, DKP), lambda i: (i, 0, 0)),
            pl.BlockSpec((CT, EB, DKP), lambda i: (i, 0, 0)),
            pl.BlockSpec((CT, EB, DV), lambda i: (i, 0, 0)),
            pl.BlockSpec((CT, EB, DKP), lambda i: (i, 0, 0)),
            pl.BlockSpec((CT, EB), lambda i: (i, 0)),
        ],
        out_specs=pl.BlockSpec((CT, EB, DV), lambda i: (i, 0, 0)),
        scratch_shapes=[pltpu.VMEM((EB, DKP, DV), jnp.float32)],
        out_shape=jax.ShapeDtypeStruct((T, EB, DV), q_total.dtype),
    )(q_in, k_in, v_in, a_in, b_in)
    return jnp.transpose(out.reshape(T, EK, B, DV), (1, 2, 0, 3))


def kernel(normed_stream, params):
    stream = normed_stream
    B, n, T, d = stream.shape
    positions = jnp.arange(T, dtype=stream.dtype)
    route_input = stream.mean(axis=1)
    gate_q = _top_prob_max_k(route_input @ params['router_q'], _Q_TP, _Q_MK)
    gate_kv = _top_prob_max_k(route_input @ params['router_kv'], _KV_TP, _KV_MK)

    x_flat = jnp.transpose(stream, (0, 2, 1, 3)).reshape(B, T, n * d)
    x_base = x_flat * jax.lax.rsqrt(jnp.mean(x_flat * x_flat, axis=-1, keepdims=True) + 1e-6)

    q_total = jnp.zeros((B, T, _DKP), dtype=stream.dtype)
    H_post_acc = jnp.zeros((B, T, n), dtype=stream.dtype)
    H_res_acc = jnp.zeros((B, T, n, n), dtype=stream.dtype)
    for e in range(_EQ):
        H_res, H_pre, H_post = _mhc_forward(x_base, params['mhc_q'], e)
        h = jnp.einsum('btn,bntd->btd', H_pre, stream)
        q_e = h @ params['W_q'] + (h @ params['lora_A_q'][e]) @ params['lora_B_q'][e]
        q_p = _apply_pope(q_e, positions, params['freqs'], params['pope_delta'], True)
        g = gate_q[..., e:e + 1]
        q_total = q_total + g * q_p
        H_post_acc = H_post_acc + g * H_post
        H_res_acc = H_res_acc + g[..., None] * H_res

    k_list, v_list, a_list, b_list = [], [], [], []
    for e in range(_EK):
        H_res, H_pre, H_post = _mhc_forward(x_base, params['mhc_kv'], e)
        h = jnp.einsum('btn,bntd->btd', H_pre, stream)
        k_e = h @ params['W_k'] + (h @ params['lora_A_k'][e]) @ params['lora_B_k'][e]
        k_p = _apply_pope(k_e, positions, params['freqs'], params['pope_delta'], False)
        v_e = h @ params['W_v'] + (h @ params['lora_A_v'][e]) @ params['lora_B_v'][e]
        alpha = jax.nn.sigmoid(jax.nn.silu(h @ params['alpha_up'][e]) @ params['alpha_down'][e])
        beta = jax.nn.sigmoid(jax.nn.silu(h @ params['beta_up'][e]) @ params['beta_down'][e])[..., 0]
        k_list.append(k_p); v_list.append(v_e); a_list.append(alpha); b_list.append(beta)
        g = gate_kv[..., e:e + 1]
        H_post_acc = H_post_acc + g * H_post
        H_res_acc = H_res_acc + g[..., None] * H_res

    o_all = _kda_all_experts(q_total,
                             jnp.stack(k_list), jnp.stack(v_list),
                             jnp.stack(a_list), jnp.stack(b_list))
    out_heads = [gate_kv[..., e:e + 1] * o_all[e] for e in range(_EK)]
    out_cat = jnp.concatenate(out_heads, axis=-1)
    pre = jax.nn.sigmoid(route_input @ params['W_pre'])
    y = (out_cat * pre) @ params['W_o']
    pg = jax.nn.sigmoid(jax.nn.silu(route_input @ params['W_pg1']) @ params['W_pg2'])
    y = y * pg
    denom = float(_EQ + _EK)
    H_post_avg = H_post_acc / denom
    H_res_avg = H_res_acc / denom
    mixed = jnp.einsum('btij,bjtd->bitd', H_res_avg, stream)
    return mixed + jnp.transpose(H_post_avg, (0, 2, 1))[..., None] * y[:, None, :, :]

# --- scband reference (transcript-rebuilt; emitter-appended) ---
"""Pipeline reference for scband-kdapolicy-network-27058293965532 (READ-ONLY COPY).

The authoritative reference and input builder live on the scoring server;
editing this copy changes nothing except your own understanding.
"""

import math
import jax, jax.numpy as jnp
import numpy as np

D = 1024; DK = 16; DV = 16; DKP = 2 * DK
EQ = 8; EK = 8; NM = 4; R = max(DK // 4, 1)
DALPHA = int(DK * 1.618); CONCAT = EK * DV; DPG = int(CONCAT * 0.618)
B = 2; T = 2048
Q_TP = 0.8; Q_MK = 2; KV_TP = 0.8; KV_MK = 2


def sinkhorn_knopp(M, n_iters=6):
    M = jnp.exp(M)
    for _ in range(n_iters):
        M = M / M.sum(axis=-1, keepdims=True)
        M = M / M.sum(axis=-2, keepdims=True)
    return M


def rms_norm(x, scale):
    return x * jax.lax.rsqrt(jnp.mean(x * x, axis=-1, keepdims=True) + 1e-6) * scale


def top_prob_max_k(logits, threshold, max_k):
    probs = jax.nn.softmax(logits, axis=-1)
    sorted_idx = jnp.argsort(-probs, axis=-1)
    sorted_p = jnp.take_along_axis(probs, sorted_idx, axis=-1)
    cumsum = jnp.cumsum(sorted_p, axis=-1)
    ar = jnp.arange(logits.shape[-1])
    mask = (cumsum - sorted_p < threshold) & (ar < max_k)
    mask = mask.at[..., 0].set(True)
    selected = sorted_p * mask.astype(sorted_p.dtype)
    inv = jnp.argsort(sorted_idx, axis=-1)
    return jnp.take_along_axis(selected, inv, axis=-1)


def mhc_forward(stream, mp, e):
    Bq, n, Tq, d = stream.shape
    x = jnp.transpose(stream, (0, 2, 1, 3)).reshape(Bq, Tq, n * d)
    x = rms_norm(x, mp['scale'][e])
    H_pre = jax.nn.sigmoid(mp['a_pre'][e] * (x @ mp['phi_pre'][e]) + mp['b_pre'][e])
    H_post = 2.0 * jax.nn.sigmoid(mp['a_post'][e] * (x @ mp['phi_post'][e]) + mp['b_post'][e])
    H_res_raw = (mp['a_res'][e] * (x @ mp['phi_res'][e])).reshape(Bq, Tq, n, n) + mp['b_res'][e]
    return sinkhorn_knopp(H_res_raw), H_pre, H_post


def apply_pope(x, positions, freqs, delta_raw, is_query):
    mu = jax.nn.softplus(x)
    phi = positions[:, None] * freqs[None, :]
    if not is_query:
        phi = phi - 2.0 * math.pi * jax.nn.sigmoid(delta_raw)
    return jnp.concatenate([mu * jnp.cos(phi), mu * jnp.sin(phi)], axis=-1)


def kda_recursion(q, k, v, alpha, beta):
    Bq = q.shape[0]
    S0 = jnp.zeros((Bq, q.shape[-1], v.shape[-1]), dtype=q.dtype)
    def step(S, inp):
        q_t, k_t, v_t, a_t, b_t = inp
        aS = a_t[..., None] * S
        kt_aS = jnp.einsum('bd,bde->be', k_t, aS)
        bt = b_t[:, None, None]
        S_new = aS - bt * (k_t[:, :, None] * kt_aS[:, None, :]) + bt * (k_t[:, :, None] * v_t[:, None, :])
        out_t = jnp.einsum('bd,bde->be', q_t, S_new)
        return S_new, out_t
    xs = (jnp.swapaxes(q, 0, 1), jnp.swapaxes(k, 0, 1), jnp.swapaxes(v, 0, 1), jnp.swapaxes(alpha, 0, 1), beta.T)
    S, outs = jax.lax.scan(step, S0, xs)
    return jnp.swapaxes(outs, 0, 1), S


def _forward(stream, params):
    Bq, n, Tq, d = stream.shape
    positions = jnp.arange(Tq, dtype=stream.dtype)
    route_input = stream.mean(axis=1)
    gate_q = top_prob_max_k(route_input @ params['router_q'], Q_TP, Q_MK)
    gate_kv = top_prob_max_k(route_input @ params['router_kv'], KV_TP, KV_MK)
    q_total = jnp.zeros((Bq, Tq, DKP), dtype=stream.dtype)
    H_post_acc = jnp.zeros((Bq, Tq, n), dtype=stream.dtype)
    H_res_acc = jnp.zeros((Bq, Tq, n, n), dtype=stream.dtype)
    for e in range(EQ):
        H_res, H_pre, H_post = mhc_forward(stream, params['mhc_q'], e)
        h = jnp.einsum('btn,bntd->btd', H_pre, stream)
        q_e = h @ params['W_q'] + (h @ params['lora_A_q'][e]) @ params['lora_B_q'][e]
        q_p = apply_pope(q_e, positions, params['freqs'], params['pope_delta'], True)
        g = gate_q[..., e:e + 1]
        q_total = q_total + g * q_p
        H_post_acc = H_post_acc + g * H_post
        H_res_acc = H_res_acc + g[..., None] * H_res
    out_heads = []
    for e in range(EK):
        H_res, H_pre, H_post = mhc_forward(stream, params['mhc_kv'], e)
        h = jnp.einsum('btn,bntd->btd', H_pre, stream)
        k_e = h @ params['W_k'] + (h @ params['lora_A_k'][e]) @ params['lora_B_k'][e]
        k_p = apply_pope(k_e, positions, params['freqs'], params['pope_delta'], False)
        v_e = h @ params['W_v'] + (h @ params['lora_A_v'][e]) @ params['lora_B_v'][e]
        alpha = jax.nn.sigmoid(jax.nn.silu(h @ params['alpha_up'][e]) @ params['alpha_down'][e])
        beta = jax.nn.sigmoid(jax.nn.silu(h @ params['beta_up'][e]) @ params['beta_down'][e])[..., 0]
        o_e, _S = kda_recursion(q_total, k_p, v_e, alpha, beta)
        g = gate_kv[..., e:e + 1]
        out_heads.append(g * o_e)
        H_post_acc = H_post_acc + g * H_post
        H_res_acc = H_res_acc + g[..., None] * H_res
    out_cat = jnp.concatenate(out_heads, axis=-1)
    pre = jax.nn.sigmoid(route_input @ params['W_pre'])
    y = (out_cat * pre) @ params['W_o']
    pg = jax.nn.sigmoid(jax.nn.silu(route_input @ params['W_pg1']) @ params['W_pg2'])
    y = y * pg
    denom = float(EQ + EK)
    H_post_avg = H_post_acc / denom
    H_res_avg = H_res_acc / denom
    mixed = jnp.einsum('btij,bjtd->bitd', H_res_avg, stream)
    return mixed + jnp.transpose(H_post_avg, (0, 2, 1))[..., None] * y[:, None, :, :]


def setup_inputs(seed: int = 0):
    key = jax.random.key(seed)
    ks = jax.random.split(key, 32)
    nd = NM * D
    def rn(k, shape, s=0.02):
        return jax.random.normal(k, shape, dtype=jnp.float32) * s
    def mhc_params(kbase, E):
        kk = jax.random.split(kbase, 3)
        return {'scale': jnp.ones((E, nd), jnp.float32),
                'phi_pre': rn(kk[0], (E, nd, NM)),
                'phi_post': rn(kk[1], (E, nd, NM)),
                'phi_res': rn(kk[2], (E, nd, NM * NM)),
                'b_pre': jnp.zeros((E, NM), jnp.float32),
                'b_post': jnp.zeros((E, NM), jnp.float32),
                'b_res': jnp.zeros((E, NM, NM), jnp.float32),
                'a_pre': jnp.full((E,), 0.01, jnp.float32),
                'a_post': jnp.full((E,), 0.01, jnp.float32),
                'a_res': jnp.full((E,), 0.01, jnp.float32)}
    params = {
        'W_q': rn(ks[0], (D, DK)), 'W_k': rn(ks[1], (D, DK)), 'W_v': rn(ks[2], (D, DV)),
        'pope_delta': jnp.zeros((DK,), jnp.float32),
        'freqs': 10000.0 ** (jnp.arange(DK, dtype=jnp.float32) / DK),
        'lora_A_q': rn(ks[3], (EQ, D, R), 0.01), 'lora_B_q': rn(ks[4], (EQ, R, DK), 0.01),
        'lora_A_k': rn(ks[5], (EK, D, R), 0.01), 'lora_B_k': rn(ks[6], (EK, R, DK), 0.01),
        'lora_A_v': rn(ks[7], (EK, D, R), 0.01), 'lora_B_v': rn(ks[8], (EK, R, DV), 0.01),
        'alpha_up': rn(ks[9], (EK, D, DALPHA), 0.01), 'alpha_down': rn(ks[10], (EK, DALPHA, DKP), 0.01),
        'beta_up': rn(ks[11], (EK, D, DALPHA), 0.01), 'beta_down': rn(ks[12], (EK, DALPHA, 1), 0.01),
        'W_pre': rn(ks[13], (D, CONCAT)), 'W_o': rn(ks[14], (CONCAT, D)),
        'W_pg1': rn(ks[15], (D, DPG)), 'W_pg2': rn(ks[16], (DPG, D)),
        'router_q': rn(ks[17], (D, EQ)), 'router_kv': rn(ks[18], (D, EK)),
        'mhc_q': mhc_params(ks[19], EQ), 'mhc_kv': mhc_params(ks[20], EK),
    }
    normed_stream = jax.random.normal(ks[21], (B, NM, T, D), dtype=jnp.float32)
    return {'normed_stream': normed_stream, 'params': params}


def reference(normed_stream, params):
    return _forward(normed_stream, params)

if __name__ == "__main__":
    import jax
    _d = setup_inputs()
    print(jax.jit(kernel)(*tuple(_d.values())))

</pallas_src>

<mosaic_0001>
module attributes {stable_mosaic.version = 14 : i64} {
  func.func @_kda_kernel(%arg0: i32, %arg1: memref<256x16x32xf32, #tpu.memory_space<vmem>>, %arg2: memref<256x16x32xf32, #tpu.memory_space<vmem>>, %arg3: memref<256x16x16xf32, #tpu.memory_space<vmem>>, %arg4: memref<256x16x32xf32, #tpu.memory_space<vmem>>, %arg5: memref<256x16xf32, #tpu.memory_space<vmem>>, %arg6: memref<256x16x16xf32, #tpu.memory_space<vmem>>, %arg7: memref<16x32x16xf32, #tpu.memory_space<vmem>>) attributes {dimension_semantics = [#tpu.dimension_semantics<arbitrary>], iteration_bounds = array<i64: 8>, scalar_prefetch = 0 : i64, scratch_operands = 1 : i64, tpu.core_type = #tpu.core_type<tc>, window_params = [{transform_indices = @transform_0, window_bounds = array<i64: 256, 16, 32>}, {transform_indices = @transform_1, window_bounds = array<i64: 256, 16, 32>}, {transform_indices = @transform_2, window_bounds = array<i64: 256, 16, 16>}, {transform_indices = @transform_3, window_bounds = array<i64: 256, 16, 32>}, {transform_indices = @transform_4, window_bounds = array<i64: 256, 16>}, {transform_indices = @transform_5, window_bounds = array<i64: 256, 16, 16>}]} {
    %eq3A = arith.constant 0 : i32
    %eq3A_0 = arith.cmpi eq, %arg0, %eq3A : i32
    %convert_element_type3A = arith.extui %eq3A_0 : i1 to i32
    %cond3A = arith.constant 0 : i32
    %cond3A_1 = arith.cmpi ne, %convert_element_type3A, %cond3A : i32
    scf.if %cond3A_1 {
      %broadcast_in_dim3A = arith.constant 0.000000e+00 : f32
      %broadcast_in_dim3A_6 = vector.broadcast %broadcast_in_dim3A : f32 to vector<16x32x16xf32>
      %swap3A = arith.constant 0 : index
      %swap3A_7 = arith.constant 0 : index
      %swap3A_8 = arith.constant 0 : index
      %swap3A_9 = vector.load %arg7[%swap3A, %swap3A_7, %swap3A_8] : memref<16x32x16xf32, #tpu.memory_space<vmem>>, vector<16x32x16xf32>
      tpu.vector_store %arg7[%swap3A, %swap3A_7, %swap3A_8], %broadcast_in_dim3A_6 {strides = array<i32>} : memref<16x32x16xf32, #tpu.memory_space<vmem>>, vector<16x32x16xf32>,
    } else {
    }
    %scan3A = arith.constant 0 : i32
    %scan3A_2 = arith.constant 256 : i32
    %scan3A_3 = arith.addi %scan3A, %scan3A_2 : i32
    %scan3A_4 = arith.constant 1 : i32
    scf.for %scan3A_6 = %scan3A to %scan3A_3 step %scan3A_4  : i32 {
      %get3A = arith.index_cast %scan3A_6 : i32 to index
      %get3A_7 = arith.constant 0 : index
      %get3A_8 = arith.constant 0 : index
      %get3A_9 = vector.load %arg1[%get3A, %get3A_7, %get3A_8] : memref<256x16x32xf32, #tpu.memory_space<vmem>>, vector<1x16x32xf32>
      %squeeze3A = vector.shape_cast %get3A_9 : vector<1x16x32xf32> to vector<16x32xf32>
      %get3A_10 = arith.index_cast %scan3A_6 : i32 to index
      %get3A_11 = arith.constant 0 : index
      %get3A_12 = arith.constant 0 : index
      %get3A_13 = vector.load %arg2[%get3A_10, %get3A_11, %get3A_12] : memref<256x16x32xf32, #tpu.memory_space<vmem>>, vector<1x16x32xf32>
      %squeeze3A_14 = vector.shape_cast %get3A_13 : vector<1x16x32xf32> to vector<16x32xf32>
      %get3A_15 = arith.index_cast %scan3A_6 : i32 to index
      %get3A_16 = arith.constant 0 : index
      %get3A_17 = arith.constant 0 : index
      %get3A_18 = vector.load %arg3[%get3A_15, %get3A_16, %get3A_17] : memref<256x16x16xf32, #tpu.memory_space<vmem>>, vector<1x16x16xf32>
      %squeeze3A_19 = vector.shape_cast %get3A_18 : vector<1x16x16xf32> to vector<16x16xf32>
      %get3A_20 = arith.index_cast %scan3A_6 : i32 to index
      %get3A_21 = arith.constant 0 : index
      %get3A_22 = arith.constant 0 : index
      %get3A_23 = vector.load %arg4[%get3A_20, %get3A_21, %get3A_22] : memref<256x16x32xf32, #tpu.memory_space<vmem>>, vector<1x16x32xf32>
      %squeeze3A_24 = vector.shape_cast %get3A_23 : vector<1x16x32xf32> to vector<16x32xf32>
      %get3A_25 = arith.index_cast %scan3A_6 : i32 to index
      %get3A_26 = arith.constant 0 : index
      %get3A_27 = vector.load %arg5[%get3A_25, %get3A_26] : memref<256x16xf32, #tpu.memory_space<vmem>>, vector<1x16xf32>
      %squeeze3A_28 = vector.shape_cast %get3A_27 : vector<1x16xf32> to vector<16xf32>
      %get3A_29 = arith.constant 0 : index
      %get3A_30 = arith.constant 0 : index
      %get3A_31 = arith.constant 0 : index
      %get3A_32 = vector.load %arg7[%get3A_29, %get3A_30, %get3A_31] : memref<16x32x16xf32, #tpu.memory_space<vmem>>, vector<16x32x16xf32>
      %broadcast_in_dim3A = vector.shape_cast %squeeze3A_24 : vector<16x32xf32> to vector<16x32x1xf32>
      %mul3A = vector.broadcast %broadcast_in_dim3A : vector<16x32x1xf32> to vector<16x32x16xf32>
      %mul3A_33 = arith.mulf %mul3A, %get3A_32 : vector<16x32x16xf32>
      %broadcast_in_dim3A_34 = vector.shape_cast %squeeze3A_14 : vector<16x32xf32> to vector<16x32x1xf32>
      %mul3A_35 = vector.broadcast %broadcast_in_dim3A_34 : vector<16x32x1xf32> to vector<16x32x16xf32>
      %mul3A_36 = arith.mulf %mul3A_35, %mul3A_33 : vector<16x32x16xf32>
      %reduce_sum3A = arith.constant dense<0.000000e+00> : vector<16x16xf32>
      %reduce_sum3A_37 = vector.multi_reduction <add>, %mul3A_36, %reduce_sum3A [1] : vector<16x32x16xf32> to vector<16x16xf32>
      %broadcast_in_dim3A_38 = vector.shape_cast %squeeze3A_28 : vector<16xf32> to vector<16x1x1xf32>
      %broadcast_in_dim3A_39 = vector.shape_cast %squeeze3A_14 : vector<16x32xf32> to vector<16x32x1xf32>
      %mul3A_40 = vector.broadcast %broadcast_in_dim3A_38 : vector<16x1x1xf32> to vector<16x32x1xf32>
      %mul3A_41 = arith.mulf %mul3A_40, %broadcast_in_dim3A_39 : vector<16x32x1xf32>
      %broadcast_in_dim3A_42 = vector.shape_cast %squeeze3A_19 : vector<16x16xf32> to vector<16x1x16xf32>
      %broadcast_in_dim3A_43 = vector.shape_cast %reduce_sum3A_37 : vector<16x16xf32> to vector<16x1x16xf32>
      %sub3A = arith.subf %broadcast_in_dim3A_42, %broadcast_in_dim3A_43 : vector<16x1x16xf32>
      %mul3A_44 = vector.broadcast %mul3A_41 : vector<16x32x1xf32> to vector<16x32x16xf32>
      %mul3A_45 = vector.broadcast %sub3A : vector<16x1x16xf32> to vector<16x32x16xf32>
      %mul3A_46 = arith.mulf %mul3A_44, %mul3A_45 : vector<16x32x16xf32>
      %add3A = arith.addf %mul3A_33, %mul3A_46 : vector<16x32x16xf32>
      %broadcast_in_dim3A_47 = vector.shape_cast %squeeze3A : vector<16x32xf32> to vector<16x32x1xf32>
      %mul3A_48 = vector.broadcast %broadcast_in_dim3A_47 : vector<16x32x1xf32> to vector<16x32x16xf32>
      %mul3A_49 = arith.mulf %mul3A_48, %add3A : vector<16x32x16xf32>
      %reduce_sum3A_50 = arith.constant dense<0.000000e+00> : vector<16x16xf32>
      %reduce_sum3A_51 = vector.multi_reduction <add>, %mul3A_49, %reduce_sum3A_50 [1] : vector<16x32x16xf32> to vector<16x16xf32>
      %broadcast_in_dim3A_52 = vector.shape_cast %reduce_sum3A_51 : vector<16x16xf32> to vector<1x16x16xf32>
      %swap3A = arith.index_cast %scan3A_6 : i32 to index
      %swap3A_53 = arith.constant 0 : index
      %swap3A_54 = arith.constant 0 : index
      %swap3A_55 = vector.load %arg6[%swap3A, %swap3A_53, %swap3A_54] : memref<256x16x16xf32, #tpu.memory_space<vmem>>, vector<1x16x16xf32>
      tpu.vector_store %arg6[%swap3A, %swap3A_53, %swap3A_54], %broadcast_in_dim3A_52 {strides = array<i32>} : memref<256x16x16xf32, #tpu.memory_space<vmem>>, vector<1x16x16xf32>,
      %swap3A_56 = arith.constant 0 : index
      %swap3A_57 = arith.constant 0 : index
      %swap3A_58 = arith.constant 0 : index
      %swap3A_59 = vector.load %arg7[%swap3A_56, %swap3A_57, %swap3A_58] : memref<16x32x16xf32, #tpu.memory_space<vmem>>, vector<16x32x16xf32>
      tpu.vector_store %arg7[%swap3A_56, %swap3A_57, %swap3A_58], %add3A {strides = array<i32>} : memref<16x32x16xf32, #tpu.memory_space<vmem>>, vector<16x32x16xf32>,
    }
    %scan3A_5 = arith.constant 256 : i32
    return
  }
  func.func @transform_0(%arg0: i32) -> (i32, i32, i32) {
    %c0_i32 = arith.constant 0 : i32
    %c0_i32_0 = arith.constant 0 : i32
    %c0_i32_1 = arith.constant 0 : i32
    return %arg0, %c0_i32, %c0_i32_0 : i32, i32, i32
  }
  func.func @transform_1(%arg0: i32) -> (i32, i32, i32) {
    %c0_i32 = arith.constant 0 : i32
    %c0_i32_0 = arith.constant 0 : i32
    %c0_i32_1 = arith.constant 0 : i32
    return %arg0, %c0_i32, %c0_i32_0 : i32, i32, i32
  }
  func.func @transform_2(%arg0: i32) -> (i32, i32, i32) {
    %c0_i32 = arith.constant 0 : i32
    %c0_i32_0 = arith.constant 0 : i32
    %c0_i32_1 = arith.constant 0 : i32
    return %arg0, %c0_i32, %c0_i32_0 : i32, i32, i32
  }
  func.func @transform_3(%arg0: i32) -> (i32, i32, i32) {
    %c0_i32 = arith.constant 0 : i32
    %c0_i32_0 = arith.constant 0 : i32
    %c0_i32_1 = arith.constant 0 : i32
    return %arg0, %c0_i32, %c0_i32_0 : i32, i32, i32
  }
  func.func @transform_4(%arg0: i32) -> (i32, i32) {
    %c0_i32 = arith.constant 0 : i32
    %c0_i32_0 = arith.constant 0 : i32
    return %arg0, %c0_i32 : i32, i32
  }
  func.func @transform_5(%arg0: i32) -> (i32, i32, i32) {
    %c0_i32 = arith.constant 0 : i32
    %c0_i32_0 = arith.constant 0 : i32
    %c0_i32_1 = arith.constant 0 : i32
    return %arg0, %c0_i32, %c0_i32_0 : i32, i32, i32
  }
}

</mosaic_0001>

<sc_bundles>
// kernel: gather_offload_async_start.1
scs
__scs_entry_jumppad:
0x0: {  	(pc) =	sbr.rel $0x88, $3  }
0x1: {  	(tag) =	ssettag $0x0;
	lr =	simm.s32 $0x1  }
0x2: {  	[smem:$0x3F77] =	sst lr;
	_ =	strace $0xD0000000  }
0x3: {  	_ = 	snop  }
0x4: {  	_ = 	snop  }
0x5: {  	_ = 	snop  }
0x6: {  	_ = 	snop  }
0x7: {  	_ = 	snop  }
__scs_overlays_trampoline_lowered:
0x8: {  	[smem:$0x3F86] =	sst s0  }
0x9: {  	[smem:$0x3F87] =	sst s1  }
0xa: {  	[smem:$0x3F88] =	sst s2  }
0xb: {  	[smem:$0x3F89] =	sst s3  }
0xc: {  	[smem:$0x3F8A] =	sst s4  }
0xd: {  	[smem:$0x3F8B] =	sst s5  }
0xe: {  	[smem:$0x3F8C] =	sst s6  }
0xf: {  	[smem:$0x3F8D] =	sst s7  }
0x10: {  	[smem:$0x3F8E] =	sst s8  }
0x11: {  	[smem:$0x3F8F] =	sst s9;
	s0 =	simm.s32 @!p0 $0x0  }
0x12: {  	s1 =	sld [smem:$0x3F75];
	s0 =	simm.s32 @p0 $0x1  }
0x13: {  	[smem:$0x3F90] =	sst s0;
	s0 =	simm.s32 @!p1 $0x0  }
0x14: {  	s2 =	sld [smem:$0x3F74];
	s0 =	simm.s32 @p1 $0x1  }
0x15: {  	[smem:$0x3F91] =	sst s0;
	s0 =	simm.s32 @!p2 $0x0  }
0x16: {  	s3 =	sld [smem:$0x3FDB];
	s0 =	simm.s32 @p2 $0x1  }
0x17: {  	s4 =	simm.s32 $0x1BF5;
	[smem:$0x3F93] =	sst s0  }
0x18: {  	s0 =	sld [smem:$0x3F76];
	_ =	swait.ge [sflag:s4], $0x0  }
0x19: {  	s7 =	sld [smem:$0x3F77]  }
0x1a: {  	s8 =	sadd.s32 $0xFFFFE003, lr  }
0x1b: {  	s9 =	sadd.s32 $0xFFFFFEF7, lr;
	s5 =	simm.s32 $0xFFFFFFFF;
	p2 =	slt.u32 s8, $0xFFFFF086  }
0x1c: {  	p1 =	slt.u32 s9, $0xF7A;
	s5 =	simm.s32 @!p2 $0x0  }
0x1d: {  	s5 =	simm.s32 @p1 $0x1;
	p0 =	seq.s32 s7, s2  }
0x1e: {  	s7 =	smul.u32 @!p0 $0xF7A, s2;
	p2 =	seq.s32 @!p0 s5, $0x0  }
0x1f: {  	s9 =	smul.u32 $0xF7A, s1;
	s8 =	simm.s32 @!p0 $0x1BF5;
	p2 =	por !p2, p0  }
0x20: {  	[sflag:s8] =	ssyncset.s32 @!p0 $0xFFFFF086;
	s6 =	sadd.s32 @!p0 s3, s7;
	s7 =	simm.s32 @!p0 $0x108  }
0x21: {  	s3 =	sadd.s32 s3, s9;
	s6 =	sadd.s32 @!p0 $0x88, s6;
	s7 =	simm.s32 @p2 $0x1082  }
0x22: {  	[simem:s7], [sflag:s8] =	dma.local @!p0 [hbm:s6], $0xF7A  }
0x23: {  	s9 =	sor.u32 $0xD0000000, s2;
	s6 =	simm.s32 $0x108;
	_ =	swait.ge @!p0 [sflag:s8], $0x0  }
0x24: {  	s3 =	sadd.s32 $0x88, s3;
	s6 =	simm.s32 @!p1 $0x1082;
	[sflag:s4] =	ssyncset.s32 $0xFFFFF086  }
0x25: {  	[simem:s6], [sflag:s4] =	dma.local [hbm:s3], $0xF7A  }
0x26: {  	[smem:$0x3F77] =	sst s1;
	(tag) =	ssettag s2;
	_ =	strace s9  }
0x27: {  	s1 =	sld [smem:$0x3F87]  }
0x28: {  	s2 =	sld [smem:$0x3F88]  }
0x29: {  	s4 =	sld [smem:$0x3F8A]  }
0x2a: {  	p0 =	seq.s32 s5, $0x0;
	s5 =	sld [smem:$0x3F8B]  }
0x2b: {  	s6 =	sld [smem:$0x3F8C]  }
0x2c: {  	s7 =	sld [smem:$0x3F8D]  }
0x2d: {  	s3 =	simm.s32 $0x108;
	s8 =	sld [smem:$0x3F8E]  }
0x2e: {  	s3 =	simm.s32 @!p0 $0x1082;
	s9 =	sld [smem:$0x3F8F]  }
0x2f: {  	lr =	sadd.s32 s0, s3;
	s0 =	sld [smem:$0x3F86]  }
0x30: {  	s3 =	sld [smem:$0x3F89]  }
0x31: {  	[smem:$0x3F92] =	sst s10  }
0x32: {  	s10 =	sld [smem:$0x3F90];
	_ =	sdelay $0x3  }
0x33: {  	p0 =	seq.s32 s10, $0x1;
	s10 =	sld [smem:$0x3F92];
	_ =	sdelay $0x3  }
0x34: {  	[smem:$0x3F92] =	sst s10  }
0x35: {  	s10 =	sld [smem:$0x3F91];
	_ =	sdelay $0x3  }
0x36: {  	p1 =	seq.s32 s10, $0x1;
	s10 =	sld [smem:$0x3F92];
	_ =	sdelay $0x3  }
0x37: {  	[smem:$0x3F92] =	sst s10  }
0x38: {  	s10 =	sld [smem:$0x3F93]  }
0x39: {  	_ = 	snop;
	(pc) =	sbr.ind lr, $3  }
0x3a: {  	_ = 	snop  }
0x3b: {  	_ = 	snop  }
0x3c: {  	p2 =	seq.s32 s10, $0x1;
	s10 =	sld [smem:$0x3F92]  }
0x3d: {  	_ =	shalt  }
0x3e: {  	_ =	shalt  }
0x3f: {  	_ =	shalt  }
0x40: {  	_ =	shalt  }
0x41: {  	_ =	shalt  }
0x42: {  	_ =	shalt  }
0x43: {  	_ =	shalt  }
0x44: {  	_ =	shalt  }
0x45: {  	_ =	shalt  }
0x46: {  	_ =	shalt  }
0x47: {  	_ =	shalt  }
0x48: {  	_ =	shalt  }
0x49: {  	_ =	shalt  }
0x4a: {  	_ =	shalt  }
0x4b: {  	_ =	shalt  }
0x4c: {  	_ =	shalt  }
0x4d: {  	_ =	shalt  }
0x4e: {  	_ =	shalt  }
0x4f: {  	_ =	shalt  }
0x50: {  	_ =	shalt  }
0x51: {  	_ =	shalt  }
0x52: {  	_ =	shalt  }
0x53: {  	_ =	shalt  }
0x54: {  	_ =	shalt  }
0x55: {  	_ =	shalt  }
0x56: {  	_ =	shalt  }
0x57: {  	_ =	shalt  }
0x58: {  	_ =	shalt  }
0x59: {  	_ =	shalt  }
0x5a: {  	_ =	shalt  }
0x5b: {  	_ =	shalt  }
0x5c: {  	_ =	shalt  }
0x5d: {  	_ =	shalt  }
0x5e: {  	_ =	shalt  }
0x5f: {  	_ =	shalt  }
0x60: {  	_ =	shalt  }
0x61: {  	_ =	shalt  }
0x62: {  	_ =	shalt  }
0x63: {  	_ =	shalt  }
0x64: {  	_ =	shalt  }
0x65: {  	_ =	shalt  }
0x66: {  	_ =	shalt  }
0x67: {  	_ =	shalt  }
0x68: {  	_ =	shalt  }
0x69: {  	_ =	shalt  }
0x6a: {  	_ =	shalt  }
0x6b: {  	_ =	shalt  }
0x6c: {  	_ =	shalt  }
0x6d: {  	_ =	shalt  }
0x6e: {  	_ =	shalt  }
0x6f: {  	_ =	shalt  }
0x70: {  	_ =	shalt  }
0x71: {  	_ =	shalt  }
0x72: {  	_ =	shalt  }
0x73: {  	_ =	shalt  }
0x74: {  	_ =	shalt  }
0x75: {  	_ =	shalt  }
0x76: {  	_ =	shalt  }
0x77: {  	_ =	shalt  }
0x78: {  	_ =	shalt  }
0x79: {  	_ =	shalt  }
0x7a: {  	_ =	shalt  }
0x7b: {  	_ =	shalt  }
0x7c: {  	_ =	shalt  }
0x7d: {  	_ =	shalt  }
0x7e: {  	_ =	shalt  }
0x7f: {  	_ =	shalt  }
0x80: {  	_ =	shalt  }
0x81: {  	_ =	shalt  }
0x82: {  	_ =	shalt  }
0x83: {  	_ =	shalt  }
0x84: {  	_ =	shalt  }
0x85: {  	_ =	shalt  }
0x86: {  	_ =	shalt  }
0x87: {  	_ =	shalt  }
.Lfunc_end0:
.L_simem_size_0:
called_computation.2_lowered:
.L_overlay_start_0:
0x88: {  	s2 =	sld [smem:$0x3FD9]  }
0x89: {  	s3 =	sld [smem:$0x3FFE];
	_ =	sdelay $0x1  }
0x8a: {  	s1 =	srdreg.scid  }
0x8b: {  	s0 =	sand.u32 $0x1, s1  }
0x8c: {  	s16 =	sshll.u32 s0, $0xA;
	s2 =	sadd.s32 s3, s2  }
0x8d: {  	s2 =	sadd.s32 s2, s16  }
0x8e: {  	[smem:$0x3F9E] =	sst s2  }
0x8f: {  	_ = 	snop  }
0x90: {  	(tm) =	ssettm $0x1  }
0x91: {  	s17 =	sld [smem:$0x3FFB];
	_ =	sdelay $0x3  }
0x92: {  	_ =	strace s17  }
0x93: {  	s2 =	sld [smem:$0x3FFC];
	_ =	sdelay $0x3  }
0x94: {  	_ =	strace s2  }
0x95: {  	s2 =	sld [smem:$0x3FFD];
	_ =	sdelay $0x3  }
0x96: {  	_ =	strace s2  }
0x97: {  	_ =	strace $0x8FFFFFFF  }
0x98: {  	s18 =	sld [smem:$0x3FDB];
	_ =	sdelay $0x1  }
0x99: {  	s19 =	simm.s32 $_scs_section_size  }
0x9a: {  	s4 =	simm.s32 $_size__tile_overlayer_lowered;
	s5 =	simm.s32 $_tile_overlayer_lowered  }
0x9b: {  	s22 =	simm.s32 $0x1BFF;
	s21 =	sshll.u32 s5, $0x1;
	s2 =	sadd.s32 s19, s18  }
0x9c: {  	s6 =	simm.s32 $0x0;
	s20 =	sshll.u32 s4, $0x1;
	s4 =	sadd.s32 s21, s2  }
0x9d: {  	[timem:s6], [sflag:s22] =	dma.local [hbm:s4], s20  }
0x9e: {  	_ =	swait.ge [sflag:s22], s20  }
0x9f: {  	s3 =	ssub.s32 $0x0, s20;
	[sflag:s22] =	ssyncset.done $0x0  }
0xa0: {  	[sflag:s22] =	ssyncadd.s32 s3;
	_ =	sdelay $0x1  }
0xa1: {  	s23 =	simm.s32 $0x1B8B  }
0xa2: {  	_ =	swait.ge [sflag:s23], $0x1  }
0xa3: {  	[sflag:s23] =	ssyncset.done $0x0  }
0xa4: {  	s25 =	simm.s32 $0x1B8E;
	s24 =	sld [smem:$0x3FFE];
	[sflag:s23] =	ssyncadd.s32 $0xFFFFFFFF  }
0xa5: {  	s26 =	simm.s32 $execute0_lowered;
	[smem:$0x3FD2] =	sst s25  }
0xa6: {  	s4 =	sshll.u32 s26, $0x1;
	_ =	strace $0x8000004C;
	[dreg:$0x1] =	wrdreg $0xFFFFFFFF  }
0xa7: {  	s28 =	simm.s32 $_size_execute0_lowered;
	s2 =	sadd.s32 s2, s4;
	[dreg:$0x0] =	wrdreg $0x0  }
0xa8: {  	s4 =	sshll.u32 s28, $0x1;
	[dreg:$0x2] =	wrdreg s2  }
0xa9: {  	[dreg:$0x3] =	wrdreg s4  }
0xaa: {  	[dreg:$0x4] =	wrdreg $0xC0  }
0xab: {  	_ =	task [dreg:s6], $0x5FFFF  }
0xac: {  	[dreg:$0x1] =	wrdreg $0xFFFFFFFF  }
0xad: {  	[dreg:$0x0] =	wrdreg $0x60  }
0xae: {  	[dreg:$0x2] =	wrdreg s24  }
0xaf: {  	[dreg:$0x3] =	wrdreg $0x9  }
0xb0: {  	_ =	task.clear_ibuf [dreg:s6], $0x4FFFF;
	_ =	strace $0x9000004C  }
0xb1: {  	s29 =	simm.s32 $0x9;
	_ =	strace $0x8000004E  }
0xb2: {  	_ =	swait.ge [sflag:s29], $0x1  }
0xb3: {  	[sflag:s29] =	ssyncadd.s32 $0xFFFFFFFF  }
0xb4: {  	_ =	strace $0x9000004E  }
0xb5: {  	_ =	sfence  }
0xb6: {  	s30 =	sld [smem:$0x0];
	_ =	sdelay $0x2  }
0xb7: {  	s31 =	sshll.u32 s1, $0xD;
	s1 =	sshrl.u32 s1, $0x2  }
0xb8: {  	s3 =	sand.u32 $0x4000, s31;
	s1 =	sadd.s32 s1, s30  }
0xb9: {  	s0 =	sor.u32 s3, s0;
	s1 =	sshll.u32 s1, $0x11  }
0xba: {  	s0 =	sor.u32 s1, s0  }
0xbb: {  	s0 =	sadd.s32 $0x8F2B, s0  }
0xbc: {  	[sflag:s0] =	ssyncadd.remote.s32 $0x1  }
0xbd: {  	_ =	sfence.sel $0xFFFF  }
0xbe: {  	[dreg:$0x0] =	wrdreg $0xFFFFFFFF;
	(pc) =	sbr.abs _section_cstart, $3  }
0xbf: {  	[dreg:$0x1] =	wrdreg $0xFFFFFFFF  }
0xc0: {  	_ =	task.clear_ibuf [dreg:s6], $0x2FFFF;
	_ =	strace $0x9FFFFFFF  }
0xc1: {  	(tm) =	ssettm $0x7FFFFFFF  }
tec
execute0_lowered:
.L_overlay_start_1:
0x0: {  	(tag) =	ssettag $0x1  }
0x1: {  	s0 =	srdreg.scid;
	s5 =	rddreg [dreg:$0x0]  }
0x2: {  	s1 =	stileid.u32;
	s6 =	simm.s32 $0x1;
	s9 =	simm.s32 $0x1  }
0x3: {  	s10 =	simm.s32 $0x3;
	s13 =	simm.s32 $0x0;
	s2 =	sshll.u32 s0, $0x9  }
0x4: {  	s12 =	simm.s32 $0x0;
	s3 =	sshll.u32 s1, $0xA;
	s4 =	sand.u32 $0x200, s2  }
0x5: {  	s0 =	rddreg [dreg:$0x1];
	_ =	strace $0x8000004D;
	s3 =	sor.u32 s3, s4  }
0x6: {  	s2 =	sadd.s32 $0x14B3A00, s5;
	[sflag:s6] =	ssyncpa.u1 $0x0;
	s8 =	ssub.s32 $0x8000, s3  }
.Ltmp0:
0x7: {  	s4 =	sadd.s32 $0x14C0200, s5;
	s7 =	sand.u32 $0x3E00, s8;
	(pc) =	sbr.rel .LBB2_1-.Ltmp0, $4  }
0x8: {  	s5 =	sadd.s32 $0x81200, s5;
	s11 =	smov.u32 s3;
	p0 =	sne.s32 s7, $0x0  }
0x9: {  	s8 =	sshrl.u32 s8, $0xE;
	s7 =	simm.s32 $0x2;
	s9 =	simm.s32 @!p0 $0x0  }
0xa: {  	[sflag:s7] =	ssyncpa.u1 $0x0;
	p0 =	por $0x0, $0x0;
	s8 =	sadd.s32 s9, s8  }
0xb: {  	vm0 =	vmmov $0xffff;
	[sflag:s10] =	ssyncpa.u1 $0x0;
	s10 =	simm.s32 $0x0;
	s9 =	sadd.s32 $0x1, s8  }
.LBB2_4:
0xc: {  	v3 =	vshrl.u32 v0, $0x1;
	v2 =	vand.u32 $0x7, v2;
	v63 =	vshll.u32 v0, $0xE  }
0xd: {  	v3 =	vand.u32 $0x7FF, v3;
	v2 =	vsel vm1, $0xFFFFFFFF, v2;
	v0 =	vand.u32 $0x4000, v63  }
0xe: {  	v3 =	vsel vm1, $0xFFFFFFFF, v3;
	v0 =	vsel vm1, $0xFFFFC000, v0;
	v4 =	vand.u32 $0xFFFFC000, v2  }
0xf: {  	v5 =	vand.u32 $0x7F, v3;
	v0 =	vadd.s32 v0, v4;
	v3 =	vshll.u32 v3, $0x3  }
0x10: {  	v2 =	vshll.u32 v2, $0x7;
	v3 =	vand.u32 $0xFFFFFC00, v3;
	v0 =	vor.u32 v5, v0  }
0x11: {  	v2 =	vand.u32 $0x380, v2;
	v0 =	vadd.s32 v3, v0  }
0x12: {  	v0 =	vor.u32 v2, v0;
	_ =	sdelay $0x1  }
0x13: {  	(ifvalue) =	ssetifvalue $0x7FFFFFFF;
	s14 =	sadd.s32 $0x10, s14  }
0x14: {  	[tilespmem:s14], [sflag:$0x1] =	stream.indirect_vreg.gather [hbm4b:s2+s10], $0x1, v1, vm0, $0x4038;
	[tilespmem:$0x800] =	vst v63  }
0x15: {  	(ifvalue) =	ssetifvalue $0x7FFFFFFF;
	s14 =	sadd.s32 $0x10, s14  }
0x16: {  	[tilespmem:s14], [sflag:$0x1] =	stream.indirect_vreg.gather [hbm4b:s2+s10], $0x1, v0, vm0, $0x4038;
	[tilespmem:$0x800] =	vst v63  }
0x17: {  	_ =	swait.ge [sflag:s6], $0x200  }
0x18: {  	s30 =	sshrl.u32 s13, $0x3;
	[sflag:s6] =	ssyncset.done $0x0  }
0x19: {  	s31 =	sand.u32 $0x7, s13;
	s14 =	sadd.s32 s5, s30;
	[sflag:s6] =	ssyncadd.s32 $0xFFFFFE00  }
0x1a: {  	[hbm4b:s14+s31] =	stream.linear.scatter [tilespmem:s15], [sflag:$0x3], $0x200, $0x38;
	[tilespmem:$0x800] =	vst v63  }
.LBB2_5:
0x1b: {  	s15 =	sadd.s32 $0x4000, s11  }
0x1c: {  	p2 =	sgt.s32 s15, $0x7FFF  }
0x1d: {  	s15 =	smov.u32 @p2 s3;
	p2 =	sne.s32 s12, s9  }
.Ltmp1:
0x1e: {  	p1 =	slt.u32 s12, $0x2;
	(pc) =	sbr.rel @!p2 .LBB2_6-.Ltmp1, $4  }
0x1f: {  	s14 =	simm.s32 @!p1 $0x3  }
0x20: {  	s16 =	sadd.s32 $0x1, s12;
	_ =	swait.ge @!p1 [sflag:s14], $0x200  }
0x21: {  	s13 =	smov.u32 s11;
	p0 =	por !p0, !p0;
	[sflag:s14] =	ssyncset.done @!p1 $0x0  }
0x22: {  	s12 =	smov.u32 s16;
	s11 =	smov.u32 s15;
	[sflag:s14] =	ssyncadd.s32 @!p1 $0xFFFFFE00  }
.LBB2_1:
0x23: {  	p1 =	sge.u32 s12, s8  }
0x24: {  	s14 =	sxor.u32 @!p1 $0xFFFFFFFF, s12  }
0x25: {  	s31 =	sadd.s32 $0xFFFFFFFF, s12;
	s15 =	sshrl.u32 @!p1 s11, $0x3;
	s14 =	sshll.u32 @!p1 s14, $0x9  }
0x26: {  	s16 =	sand.u32 @!p1 $0x7, s11;
	s15 =	sadd.s32 @!p1 s4, s15;
	s14 =	sand.u32 @!p1 $0x200, s14  }
0x27: {  	[tilespmem:s14], [sflag:$0x2] =	stream.linear.gather @!p1 [hbm4b:s15+s16], $0x200, $0x38;
	[tilespmem:$0x800] =	vst v63  }
0x28: {  	p1 =	sge.u32 s31, s8  }
.Ltmp2:
0x29: {  	_ = 	snop;
	(pc) =	sbr.rel @p1 .LBB2_5-.Ltmp2, $1  }
0x2a: {  	_ =	sdelay $0x3  }
0x2b: {  	s14 =	simm.s32 $0x1  }
0x2c: {  	_ =	swait.ge [sflag:s7], $0x200;
	s14 =	simm.s32 @!p0 $0x0  }
0x2d: {  	[sflag:s7] =	ssyncset.done $0x0;
	s14 =	sshll.u32 s14, $0x9  }
0x2e: {  	[sflag:s7] =	ssyncadd.s32 $0xFFFFFE00;
	(ifvalue) =	ssetifvalue $0x7FFFFFFF;
	v0 =	vld.msk [tilespmem:s14+$0x0 ss:$0x1], $0xffff;
	_ =	sdelay $0x1  }
0x2f: {  	s15 =	sadd.s32 $0x10, s14  }
0x30: {  	v3 =	vld.msk [tilespmem:s15+$0x0 ss:$0x1], $0xffff;
	_ =	sdelay $0x1  }
0x31: {  	vm1 =	veq.s32 v0, $0x80000000  }
0x32: {  	v1 =	vshrl.u32 v0, $0xC;
	v2 =	vshrl.u32 v0, $0x1;
	v0 =	vshll.u32 v0, $0xE  }
0x33: {  	v1 =	vand.u32 $0x7, v1;
	v2 =	vand.u32 $0x7FF, v2;
	v0 =	vand.u32 $0x4000, v0  }
0x34: {  	v62 =	vshrl.u32 v3, $0x1;
	v1 =	vsel vm1, $0xFFFFFFFF, v1;
	v2 =	vsel vm1, $0xFFFFFFFF, v2  }
0x35: {  	v0 =	vsel vm1, $0xFFFFC000, v0;
	vm1 =	veq.s32 v3, $0x80000000;
	v4 =	vand.u32 $0xFFFFC000, v1  }
0x36: {  	v5 =	vand.u32 $0x7F, v2;
	v2 =	vshll.u32 v2, $0x3;
	v0 =	vadd.s32 v0, v4  }
0x37: {  	v1 =	vshll.u32 v1, $0x7;
	v2 =	vand.u32 $0xFFFFFC00, v2;
	v0 =	vor.u32 v5, v0  }
0x38: {  	v1 =	vand.u32 $0x380, v1;
	v0 =	vadd.s32 v2, v0;
	v2 =	vshrl.u32 v3, $0xC  }
0x39: {  	s17 =	sadd.s32 $0x10, s15;
	v3 =	vshll.u32 v3, $0xE;
	v1 =	vor.u32 v1, v0;
	v2 =	vand.u32 $0x7, v2  }
0x3a: {  	v4 =	vand.u32 $0x7FF, v62;
	v0 =	vld.msk [tilespmem:s17+$0x0 ss:$0x1], $0xffff;
	v3 =	vand.u32 $0x4000, v3;
	v2 =	vsel vm1, $0xFFFFFFFF, v2  }
0x3b: {  	v4 =	vsel vm1, $0xFFFFFFFF, v4;
	v3 =	vsel vm1, $0xFFFFC000, v3;
	v63 =	vand.u32 $0xFFFFC000, v2  }
0x3c: {  	s31 =	sshll.u32 s12, $0x9;
	v6 =	vand.u32 $0x7F, v4;
	v4 =	vshll.u32 v4, $0x3;
	v3 =	vadd.s32 v3, v63  }
0x3d: {  	s14 =	sor.u32 $0x400, s14;
	s15 =	sand.u32 $0x200, s31;
	(ifvalue) =	ssetifvalue $0x7FFFFFFF;
	v4 =	vand.u32 $0xFFFFFC00, v4;
	v2 =	vshll.u32 v2, $0x7;
	v3 =	vor.u32 v6, v3  }
0x3e: {  	[tilespmem:s14], [sflag:$0x1] =	stream.indirect_vreg.gather [hbm4b:s2+s10], $0x1, v1, vm0, $0x4038;
	v1 =	vand.u32 $0x380, v2;
	v3 =	vadd.s32 v4, v3;
	[tilespmem:$0x800] =	vst v63  }
0x3f: {  	s16 =	simm.s32 $0x20;
	s15 =	sor.u32 $0x400, s15;
	s17 =	sadd.s32 $0x10, s17;
	vm1 =	veq.s32 v0, $0x80000000;
	v2 =	vshrl.u32 v0, $0xC;
	v1 =	vor.u32 v1, v3  }
.LBB2_3:
0x40: {  	s16 =	sadd.s32 $0x10, s16;
	v3 =	vshrl.u32 v0, $0x1;
	v2 =	vand.u32 $0x7, v2;
	v4 =	vshll.u32 v0, $0xE;
	v0 =	vld.msk [tilespmem:s17+$0x0 ss:$0x1], $0xffff  }
0x41: {  	p1 =	slt.u32 s16, $0x1F0;
	v3 =	vand.u32 $0x7FF, v3;
	v2 =	vsel vm1, $0xFFFFFFFF, v2;
	v4 =	vand.u32 $0x4000, v4  }
.Ltmp3:
0x42: {  	v3 =	vsel vm1, $0xFFFFFFFF, v3;
	v4 =	vsel vm1, $0xFFFFC000, v4;
	v5 =	vand.u32 $0xFFFFC000, v2;
	(pc) =	sbr.rel @p1 .LBB2_3-.Ltmp3, $4  }
0x43: {  	s14 =	sadd.s32 $0x10, s14;
	v6 =	vand.u32 $0x7F, v3;
	v4 =	vadd.s32 v4, v5;
	v3 =	vshll.u32 v3, $0x3;
	(ifvalue) =	ssetifvalue $0x7FFFFFFF  }
0x44: {  	v2 =	vshll.u32 v2, $0x7;
	v3 =	vand.u32 $0xFFFFFC00, v3;
	v4 =	vor.u32 v6, v4;
	[tilespmem:s14], [sflag:$0x1] =	stream.indirect_vreg.gather [hbm4b:s2+s10], $0x1, v1, vm0, $0x4038;
	[tilespmem:$0x800] =	vst v63  }
0x45: {  	v1 =	vand.u32 $0x380, v2;
	v3 =	vadd.s32 v3, v4  }
0x46: {  	s17 =	sadd.s32 $0x10, s17;
	vm1 =	veq.s32 v0, $0x80000000;
	v2 =	vshrl.u32 v0, $0xC;
	v1 =	vor.u32 v1, v3  }
.Ltmp4:
0x47: {  	_ = 	snop;
	(pc) =	sbr.rel .LBB2_4-.Ltmp4, $1  }
0x48: {  	_ =	sdelay $0x3  }
.LBB2_6:
0x49: {  	_ =	sfence.sel $0x180000  }
0x4a: {  	s2 =	simm.s32 $0x2;
	[bflag:$0x0] =	sbarrier.arrive $0xFFFF  }
0x4b: {  	s30 =	simm.s32 $0x3;
	[sflag:s2] =	ssyncpa.u1 $0x1  }
0x4c: {  	s31 =	simm.s32 $0x1;
	[sflag:s30] =	ssyncpa.u1 $0x1  }
0x4d: {  	[sflag:s31] =	ssyncpa.u1 $0x1  }
0x4e: {  	p0 =	sne.s32 s1, $0x0;
	_ =	strace $0x9000004D  }
0x4f: {  	s0 =	sadd.s32 @!p0 $0x100000, s0;
	[bflag:$0x2] =	sbarrier.arrive $0xFFFF  }
0x50: {  	[sflag:s0] =	ssyncadd.tile.s32 @!p0 $0x1;
	_ =	shalt  }
.Lfunc_end2:
_tile_overlayer_lowered:
.L_overlay_start_2:
0x51: {  	(tag) =	ssettag $0x2  }
0x52: {  	s0 =	rddreg [dreg:$0x0];
	s2 =	stileid.u32  }
0x53: {  	s1 =	rddreg [dreg:$0x1];
	p0 =	sne.s32 s2, $0x0  }
0x54: {  	s3 =	rddreg [dreg:$0x2];
	[bflag:$0x3] =	sbarrier.arrive $0xFFFF;
	s2 =	simm.s32 @!p0 $0x1C01  }
0x55: {  	[timem:s3], [sflag:s2] =	dma.local @!p0 [hbm:s0], s1  }
0x56: {  	s0 =	simm.s32 @!p0 $0x1  }
0x57: {  	_ =	swait.ge @!p0 [sflag:s0], s1  }
0x58: {  	s1 =	ssub.s32 @!p0 $0x0, s1;
	[sflag:s0] =	ssyncset.done @!p0 $0x0  }
0x59: {  	[sflag:s0] =	ssyncadd.s32 @!p0 s1  }
0x5a: {  	[bflag:$0x3] =	sbarrier.arrive $0xFFFF  }
0x5b: {  	_ =	shalt  }

// kernel: gather_offload_async_start.2
scs
__scs_entry_jumppad:
0x0: {  	(pc) =	sbr.rel $0x88, $3  }
0x1: {  	(tag) =	ssettag $0x0;
	lr =	simm.s32 $0x1  }
0x2: {  	[smem:$0x3F77] =	sst lr;
	_ =	strace $0xD0000000  }
0x3: {  	_ = 	snop  }
0x4: {  	_ = 	snop  }
0x5: {  	_ = 	snop  }
0x6: {  	_ = 	snop  }
0x7: {  	_ = 	snop  }
__scs_overlays_trampoline_lowered:
0x8: {  	[smem:$0x3F86] =	sst s0  }
0x9: {  	[smem:$0x3F87] =	sst s1  }
0xa: {  	[smem:$0x3F88] =	sst s2  }
0xb: {  	[smem:$0x3F89] =	sst s3  }
0xc: {  	[smem:$0x3F8A] =	sst s4  }
0xd: {  	[smem:$0x3F8B] =	sst s5  }
0xe: {  	[smem:$0x3F8C] =	sst s6  }
0xf: {  	[smem:$0x3F8D] =	sst s7  }
0x10: {  	[smem:$0x3F8E] =	sst s8  }
0x11: {  	[smem:$0x3F8F] =	sst s9;
	s0 =	simm.s32 @!p0 $0x0  }
0x12: {  	s1 =	sld [smem:$0x3F75];
	s0 =	simm.s32 @p0 $0x1  }
0x13: {  	[smem:$0x3F90] =	sst s0;
	s0 =	simm.s32 @!p1 $0x0  }
0x14: {  	s2 =	sld [smem:$0x3F74];
	s0 =	simm.s32 @p1 $0x1  }
0x15: {  	[smem:$0x3F91] =	sst s0;
	s0 =	simm.s32 @!p2 $0x0  }
0x16: {  	s3 =	sld [smem:$0x3FDB];
	s0 =	simm.s32 @p2 $0x1  }
0x17: {  	s4 =	simm.s32 $0x1BF5;
	[smem:$0x3F93] =	sst s0  }
0x18: {  	s0 =	sld [smem:$0x3F76];
	_ =	swait.ge [sflag:s4], $0x0  }
0x19: {  	s7 =	sld [smem:$0x3F77]  }
0x1a: {  	s8 =	sadd.s32 $0xFFFFE003, lr  }
0x1b: {  	s9 =	sadd.s32 $0xFFFFFEF7, lr;
	s5 =	simm.s32 $0xFFFFFFFF;
	p2 =	slt.u32 s8, $0xFFFFF086  }
0x1c: {  	p1 =	slt.u32 s9, $0xF7A;
	s5 =	simm.s32 @!p2 $0x0  }
0x1d: {  	s5 =	simm.s32 @p1 $0x1;
	p0 =	seq.s32 s7, s2  }
0x1e: {  	s7 =	smul.u32 @!p0 $0xF7A, s2;
	p2 =	seq.s32 @!p0 s5, $0x0  }
0x1f: {  	s9 =	smul.u32 $0xF7A, s1;
	s8 =	simm.s32 @!p0 $0x1BF5;
	p2 =	por !p2, p0  }
0x20: {  	[sflag:s8] =	ssyncset.s32 @!p0 $0xFFFFF086;
	s6 =	sadd.s32 @!p0 s3, s7;
	s7 =	simm.s32 @!p0 $0x108  }
0x21: {  	s3 =	sadd.s32 s3, s9;
	s6 =	sadd.s32 @!p0 $0x88, s6;
	s7 =	simm.s32 @p2 $0x1082  }
0x22: {  	[simem:s7], [sflag:s8] =	dma.local @!p0 [hbm:s6], $0xF7A  }
0x23: {  	s9 =	sor.u32 $0xD0000000, s2;
	s6 =	simm.s32 $0x108;
	_ =	swait.ge @!p0 [sflag:s8], $0x0  }
0x24: {  	s3 =	sadd.s32 $0x88, s3;
	s6 =	simm.s32 @!p1 $0x1082;
	[sflag:s4] =	ssyncset.s32 $0xFFFFF086  }
0x25: {  	[simem:s6], [sflag:s4] =	dma.local [hbm:s3], $0xF7A  }
0x26: {  	[smem:$0x3F77] =	sst s1;
	(tag) =	ssettag s2;
	_ =	strace s9  }
0x27: {  	s1 =	sld [smem:$0x3F87]  }
0x28: {  	s2 =	sld [smem:$0x3F88]  }
0x29: {  	s4 =	sld [smem:$0x3F8A]  }
0x2a: {  	p0 =	seq.s32 s5, $0x0;
	s5 =	sld [smem:$0x3F8B]  }
0x2b: {  	s6 =	sld [smem:$0x3F8C]  }
0x2c: {  	s7 =	sld [smem:$0x3F8D]  }
0x2d: {  	s3 =	simm.s32 $0x108;
	s8 =	sld [smem:$0x3F8E]  }
0x2e: {  	s3 =	simm.s32 @!p0 $0x1082;
	s9 =	sld [smem:$0x3F8F]  }
0x2f: {  	lr =	sadd.s32 s0, s3;
	s0 =	sld [smem:$0x3F86]  }
0x30: {  	s3 =	sld [smem:$0x3F89]  }
0x31: {  	[smem:$0x3F92] =	sst s10  }
0x32: {  	s10 =	sld [smem:$0x3F90];
	_ =	sdelay $0x3  }
0x33: {  	p0 =	seq.s32 s10, $0x1;
	s10 =	sld [smem:$0x3F92];
	_ =	sdelay $0x3  }
0x34: {  	[smem:$0x3F92] =	sst s10  }
0x35: {  	s10 =	sld [smem:$0x3F91];
	_ =	sdelay $0x3  }
0x36: {  	p1 =	seq.s32 s10, $0x1;
	s10 =	sld [smem:$0x3F92];
	_ =	sdelay $0x3  }
0x37: {  	[smem:$0x3F92] =	sst s10  }
0x38: {  	s10 =	sld [smem:$0x3F93]  }
0x39: {  	_ = 	snop;
	(pc) =	sbr.ind lr, $3  }
0x3a: {  	_ = 	snop  }
0x3b: {  	_ = 	snop  }
0x3c: {  	p2 =	seq.s32 s10, $0x1;
	s10 =	sld [smem:$0x3F92]  }
0x3d: {  	_ =	shalt  }
0x3e: {  	_ =	shalt  }
0x3f: {  	_ =	shalt  }
0x40: {  	_ =	shalt  }
0x41: {  	_ =	shalt  }
0x42: {  	_ =	shalt  }
0x43: {  	_ =	shalt  }
0x44: {  	_ =	shalt  }
0x45: {  	_ =	shalt  }
0x46: {  	_ =	shalt  }
0x47: {  	_ =	shalt  }
0x48: {  	_ =	shalt  }
0x49: {  	_ =	shalt  }
0x4a: {  	_ =	shalt  }
0x4b: {  	_ =	shalt  }
0x4c: {  	_ =	shalt  }
0x4d: {  	_ =	shalt  }
0x4e: {  	_ =	shalt  }
0x4f: {  	_ =	shalt  }
0x50: {  	_ =	shalt  }
0x51: {  	_ =	shalt  }
0x52: {  	_ =	shalt  }
0x53: {  	_ =	shalt  }
0x54: {  	_ =	shalt  }
0x55: {  	_ =	shalt  }
0x56: {  	_ =	shalt  }
0x57: {  	_ =	shalt  }
0x58: {  	_ =	shalt  }
0x59: {  	_ =	shalt  }
0x5a: {  	_ =	shalt  }
0x5b: {  	_ =	shalt  }
0x5c: {  	_ =	shalt  }
0x5d: {  	_ =	shalt  }
0x5e: {  	_ =	shalt  }
0x5f: {  	_ =	shalt  }
0x60: {  	_ =	shalt  }
0x61: {  	_ =	shalt  }
0x62: {  	_ =	shalt  }
0x63: {  	_ =	shalt  }
0x64: {  	_ =	shalt  }
0x65: {  	_ =	shalt  }
0x66: {  	_ =	shalt  }
0x67: {  	_ =	shalt  }
0x68: {  	_ =	shalt  }
0x69: {  	_ =	shalt  }
0x6a: {  	_ =	shalt  }
0x6b: {  	_ =	shalt  }
0x6c: {  	_ =	shalt  }
0x6d: {  	_ =	shalt  }
0x6e: {  	_ =	shalt  }
0x6f: {  	_ =	shalt  }
0x70: {  	_ =	shalt  }
0x71: {  	_ =	shalt  }
0x72: {  	_ =	shalt  }
0x73: {  	_ =	shalt  }
0x74: {  	_ =	shalt  }
0x75: {  	_ =	shalt  }
0x76: {  	_ =	shalt  }
0x77: {  	_ =	shalt  }
0x78: {  	_ =	shalt  }
0x79: {  	_ =	shalt  }
0x7a: {  	_ =	shalt  }
0x7b: {  	_ =	shalt  }
0x7c: {  	_ =	shalt  }
0x7d: {  	_ =	shalt  }
0x7e: {  	_ =	shalt  }
0x7f: {  	_ =	shalt  }
0x80: {  	_ =	shalt  }
0x81: {  	_ =	shalt  }
0x82: {  	_ =	shalt  }
0x83: {  	_ =	shalt  }
0x84: {  	_ =	shalt  }
0x85: {  	_ =	shalt  }
0x86: {  	_ =	shalt  }
0x87: {  	_ =	shalt  }
.Lfunc_end0:
.L_simem_size_0:
called_computation.3_lowered:
.L_overlay_start_0:
0x88: {  	s2 =	sld [smem:$0x3FD9]  }
0x89: {  	s3 =	sld [smem:$0x3FFE];
	_ =	sdelay $0x1  }
0x8a: {  	s1 =	srdreg.scid  }
0x8b: {  	s0 =	sand.u32 $0x1, s1  }
0x8c: {  	s16 =	sshll.u32 s0, $0xA;
	s2 =	sadd.s32 s3, s2  }
0x8d: {  	s2 =	sadd.s32 s2, s16  }
0x8e: {  	[smem:$0x3F9E] =	sst s2  }
0x8f: {  	_ = 	snop  }
0x90: {  	(tm) =	ssettm $0x1  }
0x91: {  	s17 =	sld [smem:$0x3FFB];
	_ =	sdelay $0x3  }
0x92: {  	_ =	strace s17  }
0x93: {  	s2 =	sld [smem:$0x3FFC];
	_ =	sdelay $0x3  }
0x94: {  	_ =	strace s2  }
0x95: {  	s2 =	sld [smem:$0x3FFD];
	_ =	sdelay $0x3  }
0x96: {  	_ =	strace s2  }
0x97: {  	_ =	strace $0x8FFFFFFF  }
0x98: {  	s18 =	sld [smem:$0x3FDB];
	_ =	sdelay $0x1  }
0x99: {  	s19 =	simm.s32 $_scs_section_size  }
0x9a: {  	s4 =	simm.s32 $_size__tile_overlayer_lowered;
	s5 =	simm.s32 $_tile_overlayer_lowered  }
0x9b: {  	s22 =	simm.s32 $0x1BFF;
	s21 =	sshll.u32 s5, $0x1;
	s2 =	sadd.s32 s19, s18  }
0x9c: {  	s6 =	simm.s32 $0x0;
	s20 =	sshll.u32 s4, $0x1;
	s4 =	sadd.s32 s21, s2  }
0x9d: {  	[timem:s6], [sflag:s22] =	dma.local [hbm:s4], s20  }
0x9e: {  	_ =	swait.ge [sflag:s22], s20  }
0x9f: {  	s3 =	ssub.s32 $0x0, s20;
	[sflag:s22] =	ssyncset.done $0x0  }
0xa0: {  	[sflag:s22] =	ssyncadd.s32 s3;
	_ =	sdelay $0x1  }
0xa1: {  	s23 =	simm.s32 $0x1B8B  }
0xa2: {  	_ =	swait.ge [sflag:s23], $0x1  }
0xa3: {  	[sflag:s23] =	ssyncset.done $0x0  }
0xa4: {  	s25 =	simm.s32 $0x1B8E;
	s24 =	sld [smem:$0x3FFE];
	[sflag:s23] =	ssyncadd.s32 $0xFFFFFFFF  }
0xa5: {  	s26 =	simm.s32 $execute0_lowered;
	[smem:$0x3FD2] =	sst s25  }
0xa6: {  	s4 =	sshll.u32 s26, $0x1;
	_ =	strace $0x80000049;
	[dreg:$0x1] =	wrdreg $0xFFFFFFFF  }
0xa7: {  	s28 =	simm.s32 $_size_execute0_lowered;
	s2 =	sadd.s32 s2, s4;
	[dreg:$0x0] =	wrdreg $0x0  }
0xa8: {  	s4 =	sshll.u32 s28, $0x1;
	[dreg:$0x2] =	wrdreg s2  }
0xa9: {  	[dreg:$0x3] =	wrdreg s4  }
0xaa: {  	[dreg:$0x4] =	wrdreg $0xC0  }
0xab: {  	_ =	task [dreg:s6], $0x5FFFF  }
0xac: {  	[dreg:$0x1] =	wrdreg $0xFFFFFFFF  }
0xad: {  	[dreg:$0x0] =	wrdreg $0x60  }
0xae: {  	[dreg:$0x2] =	wrdreg s24  }
0xaf: {  	[dreg:$0x3] =	wrdreg $0x9  }
0xb0: {  	_ =	task.clear_ibuf [dreg:s6], $0x4FFFF;
	_ =	strace $0x90000049  }
0xb1: {  	s29 =	simm.s32 $0x9;
	_ =	strace $0x8000004B  }
0xb2: {  	_ =	swait.ge [sflag:s29], $0x1  }
0xb3: {  	[sflag:s29] =	ssyncadd.s32 $0xFFFFFFFF  }
0xb4: {  	_ =	strace $0x9000004B  }
0xb5: {  	_ =	sfence  }
0xb6: {  	s30 =	sld [smem:$0x0];
	_ =	sdelay $0x2  }
0xb7: {  	s31 =	sshll.u32 s1, $0xD;
	s1 =	sshrl.u32 s1, $0x2  }
0xb8: {  	s3 =	sand.u32 $0x4000, s31;
	s1 =	sadd.s32 s1, s30  }
0xb9: {  	s0 =	sor.u32 s3, s0;
	s1 =	sshll.u32 s1, $0x11  }
0xba: {  	s0 =	sor.u32 s1, s0  }
0xbb: {  	s0 =	sadd.s32 $0x8F2B, s0  }
0xbc: {  	[sflag:s0] =	ssyncadd.remote.s32 $0x1  }
0xbd: {  	_ =	sfence.sel $0xFFFF  }
0xbe: {  	[dreg:$0x0] =	wrdreg $0xFFFFFFFF;
	(pc) =	sbr.abs _section_cstart, $3  }
0xbf: {  	[dreg:$0x1] =	wrdreg $0xFFFFFFFF  }
0xc0: {  	_ =	task.clear_ibuf [dreg:s6], $0x2FFFF;
	_ =	strace $0x9FFFFFFF  }
0xc1: {  	(tm) =	ssettm $0x7FFFFFFF  }
tec
execute0_lowered:
.L_overlay_start_1:
0x0: {  	(tag) =	ssettag $0x1  }
0x1: {  	s0 =	srdreg.scid;
	s5 =	rddreg [dreg:$0x0]  }
0x2: {  	s1 =	stileid.u32;
	s6 =	simm.s32 $0x1;
	s9 =	simm.s32 $0x1  }
0x3: {  	s10 =	simm.s32 $0x3;
	s13 =	simm.s32 $0x0;
	s2 =	sshll.u32 s0, $0x9  }
0x4: {  	s12 =	simm.s32 $0x0;
	s3 =	sshll.u32 s1, $0xA;
	s2 =	sand.u32 $0x200, s2  }
0x5: {  	s0 =	rddreg [dreg:$0x1];
	_ =	strace $0x8000004A;
	s2 =	sor.u32 s3, s2  }
0x6: {  	s4 =	sadd.s32 $0x86200, s5;
	[sflag:s6] =	ssyncpa.u1 $0x0;
	s8 =	ssub.s32 $0x8000, s2  }
.Ltmp0:
0x7: {  	s3 =	sadd.s32 $0x84200, s5;
	s7 =	sand.u32 $0x3E00, s8;
	(pc) =	sbr.rel .LBB2_1-.Ltmp0, $4  }
0x8: {  	s5 =	sadd.s32 $0x80200, s5;
	s11 =	smov.u32 s2;
	p0 =	sne.s32 s7, $0x0  }
0x9: {  	s8 =	sshrl.u32 s8, $0xE;
	s7 =	simm.s32 $0x2;
	s9 =	simm.s32 @!p0 $0x0  }
0xa: {  	[sflag:s7] =	ssyncpa.u1 $0x0;
	p0 =	por $0x0, $0x0;
	s8 =	sadd.s32 s9, s8  }
0xb: {  	vm0 =	vmmov $0xffff;
	[sflag:s10] =	ssyncpa.u1 $0x0;
	s10 =	simm.s32 $0x0;
	s9 =	sadd.s32 $0x1, s8  }
.LBB2_4:
0xc: {  	v3 =	vshrl.u32 v0, $0x1;
	v2 =	vand.u32 $0x7, v2;
	v63 =	vshll.u32 v0, $0xE  }
0xd: {  	v3 =	vand.u32 $0x7FF, v3;
	v2 =	vsel vm1, $0xFFFFFFFF, v2;
	v0 =	vand.u32 $0x4000, v63  }
0xe: {  	v3 =	vsel vm1, $0xFFFFFFFF, v3;
	v0 =	vsel vm1, $0xFFFFC000, v0;
	v4 =	vand.u32 $0xFFFFC000, v2  }
0xf: {  	v5 =	vand.u32 $0x7F, v3;
	v0 =	vadd.s32 v0, v4;
	v3 =	vshll.u32 v3, $0x3  }
0x10: {  	v2 =	vshll.u32 v2, $0x7;
	v3 =	vand.u32 $0xFFFFFC00, v3;
	v0 =	vor.u32 v5, v0  }
0x11: {  	v2 =	vand.u32 $0x380, v2;
	v0 =	vadd.s32 v3, v0  }
0x12: {  	v0 =	vor.u32 v2, v0;
	_ =	sdelay $0x1  }
0x13: {  	(ifvalue) =	ssetifvalue $0x7FFFFFFF;
	s14 =	sadd.s32 $0x10, s14  }
0x14: {  	[tilespmem:s14], [sflag:$0x1] =	stream.indirect_vreg.gather [hbm4b:s3+s10], $0x1, v1, vm0, $0x4038;
	[tilespmem:$0x800] =	vst v63  }
0x15: {  	(ifvalue) =	ssetifvalue $0x7FFFFFFF;
	s14 =	sadd.s32 $0x10, s14  }
0x16: {  	[tilespmem:s14], [sflag:$0x1] =	stream.indirect_vreg.gather [hbm4b:s3+s10], $0x1, v0, vm0, $0x4038;
	[tilespmem:$0x800] =	vst v63  }
0x17: {  	_ =	swait.ge [sflag:s6], $0x200  }
0x18: {  	s30 =	sshrl.u32 s13, $0x3;
	[sflag:s6] =	ssyncset.done $0x0  }
0x19: {  	s31 =	sand.u32 $0x7, s13;
	s14 =	sadd.s32 s5, s30;
	[sflag:s6] =	ssyncadd.s32 $0xFFFFFE00  }
0x1a: {  	[hbm4b:s14+s31] =	stream.linear.scatter [tilespmem:s15], [sflag:$0x3], $0x200, $0x38;
	[tilespmem:$0x800] =	vst v63  }
.LBB2_5:
0x1b: {  	s15 =	sadd.s32 $0x4000, s11  }
0x1c: {  	p2 =	sgt.s32 s15, $0x7FFF  }
0x1d: {  	s15 =	smov.u32 @p2 s2;
	p2 =	sne.s32 s12, s9  }
.Ltmp1:
0x1e: {  	p1 =	slt.u32 s12, $0x2;
	(pc) =	sbr.rel @!p2 .LBB2_6-.Ltmp1, $4  }
0x1f: {  	s14 =	simm.s32 @!p1 $0x3  }
0x20: {  	s16 =	sadd.s32 $0x1, s12;
	_ =	swait.ge @!p1 [sflag:s14], $0x200  }
0x21: {  	s13 =	smov.u32 s11;
	p0 =	por !p0, !p0;
	[sflag:s14] =	ssyncset.done @!p1 $0x0  }
0x22: {  	s12 =	smov.u32 s16;
	s11 =	smov.u32 s15;
	[sflag:s14] =	ssyncadd.s32 @!p1 $0xFFFFFE00  }
.LBB2_1:
0x23: {  	p1 =	sge.u32 s12, s8  }
0x24: {  	s14 =	sxor.u32 @!p1 $0xFFFFFFFF, s12  }
0x25: {  	s31 =	sadd.s32 $0xFFFFFFFF, s12;
	s15 =	sshrl.u32 @!p1 s11, $0x3;
	s14 =	sshll.u32 @!p1 s14, $0x9  }
0x26: {  	s16 =	sand.u32 @!p1 $0x7, s11;
	s15 =	sadd.s32 @!p1 s4, s15;
	s14 =	sand.u32 @!p1 $0x200, s14  }
0x27: {  	[tilespmem:s14], [sflag:$0x2] =	stream.linear.gather @!p1 [hbm4b:s15+s16], $0x200, $0x38;
	[tilespmem:$0x800] =	vst v63  }
0x28: {  	p1 =	sge.u32 s31, s8  }
.Ltmp2:
0x29: {  	_ = 	snop;
	(pc) =	sbr.rel @p1 .LBB2_5-.Ltmp2, $1  }
0x2a: {  	_ =	sdelay $0x3  }
0x2b: {  	s14 =	simm.s32 $0x1  }
0x2c: {  	_ =	swait.ge [sflag:s7], $0x200;
	s14 =	simm.s32 @!p0 $0x0  }
0x2d: {  	[sflag:s7] =	ssyncset.done $0x0;
	s14 =	sshll.u32 s14, $0x9  }
0x2e: {  	[sflag:s7] =	ssyncadd.s32 $0xFFFFFE00;
	(ifvalue) =	ssetifvalue $0x7FFFFFFF;
	v0 =	vld.msk [tilespmem:s14+$0x0 ss:$0x1], $0xffff;
	_ =	sdelay $0x1  }
0x2f: {  	s15 =	sadd.s32 $0x10, s14  }
0x30: {  	v3 =	vld.msk [tilespmem:s15+$0x0 ss:$0x1], $0xffff;
	_ =	sdelay $0x1  }
0x31: {  	vm1 =	veq.s32 v0, $0x80000000  }
0x32: {  	v1 =	vshrl.u32 v0, $0xC;
	v2 =	vshrl.u32 v0, $0x1;
	v0 =	vshll.u32 v0, $0xE  }
0x33: {  	v1 =	vand.u32 $0x7, v1;
	v2 =	vand.u32 $0x7FF, v2;
	v0 =	vand.u32 $0x4000, v0  }
0x34: {  	v62 =	vshrl.u32 v3, $0x1;
	v1 =	vsel vm1, $0xFFFFFFFF, v1;
	v2 =	vsel vm1, $0xFFFFFFFF, v2  }
0x35: {  	v0 =	vsel vm1, $0xFFFFC000, v0;
	vm1 =	veq.s32 v3, $0x80000000;
	v4 =	vand.u32 $0xFFFFC000, v1  }
0x36: {  	v5 =	vand.u32 $0x7F, v2;
	v2 =	vshll.u32 v2, $0x3;
	v0 =	vadd.s32 v0, v4  }
0x37: {  	v1 =	vshll.u32 v1, $0x7;
	v2 =	vand.u32 $0xFFFFFC00, v2;
	v0 =	vor.u32 v5, v0  }
0x38: {  	v1 =	vand.u32 $0x380, v1;
	v0 =	vadd.s32 v2, v0;
	v2 =	vshrl.u32 v3, $0xC  }
0x39: {  	s17 =	sadd.s32 $0x10, s15;
	v3 =	vshll.u32 v3, $0xE;
	v1 =	vor.u32 v1, v0;
	v2 =	vand.u32 $0x7, v2  }
0x3a: {  	v4 =	vand.u32 $0x7FF, v62;
	v0 =	vld.msk [tilespmem:s17+$0x0 ss:$0x1], $0xffff;
	v3 =	vand.u32 $0x4000, v3;
	v2 =	vsel vm1, $0xFFFFFFFF, v2  }
0x3b: {  	v4 =	vsel vm1, $0xFFFFFFFF, v4;
	v3 =	vsel vm1, $0xFFFFC000, v3;
	v63 =	vand.u32 $0xFFFFC000, v2  }
0x3c: {  	s31 =	sshll.u32 s12, $0x9;
	v6 =	vand.u32 $0x7F, v4;
	v4 =	vshll.u32 v4, $0x3;
	v3 =	vadd.s32 v3, v63  }
0x3d: {  	s14 =	sor.u32 $0x400, s14;
	s15 =	sand.u32 $0x200, s31;
	(ifvalue) =	ssetifvalue $0x7FFFFFFF;
	v4 =	vand.u32 $0xFFFFFC00, v4;
	v2 =	vshll.u32 v2, $0x7;
	v3 =	vor.u32 v6, v3  }
0x3e: {  	[tilespmem:s14], [sflag:$0x1] =	stream.indirect_vreg.gather [hbm4b:s3+s10], $0x1, v1, vm0, $0x4038;
	v1 =	vand.u32 $0x380, v2;
	v3 =	vadd.s32 v4, v3;
	[tilespmem:$0x800] =	vst v63  }
0x3f: {  	s16 =	simm.s32 $0x20;
	s15 =	sor.u32 $0x400, s15;
	s17 =	sadd.s32 $0x10, s17;
	vm1 =	veq.s32 v0, $0x80000000;
	v2 =	vshrl.u32 v0, $0xC;
	v1 =	vor.u32 v1, v3  }
.LBB2_3:
0x40: {  	s16 =	sadd.s32 $0x10, s16;
	v3 =	vshrl.u32 v0, $0x1;
	v2 =	vand.u32 $0x7, v2;
	v4 =	vshll.u32 v0, $0xE;
	v0 =	vld.msk [tilespmem:s17+$0x0 ss:$0x1], $0xffff  }
0x41: {  	p1 =	slt.u32 s16, $0x1F0;
	v3 =	vand.u32 $0x7FF, v3;
	v2 =	vsel vm1, $0xFFFFFFFF, v2;
	v4 =	vand.u32 $0x4000, v4  }
.Ltmp3:
0x42: {  	v3 =	vsel vm1, $0xFFFFFFFF, v3;
	v4 =	vsel vm1, $0xFFFFC000, v4;
	v5 =	vand.u32 $0xFFFFC000, v2;
	(pc) =	sbr.rel @p1 .LBB2_3-.Ltmp3, $4  }
0x43: {  	s14 =	sadd.s32 $0x10, s14;
	v6 =	vand.u32 $0x7F, v3;
	v4 =	vadd.s32 v4, v5;
	v3 =	vshll.u32 v3, $0x3;
	(ifvalue) =	ssetifvalue $0x7FFFFFFF  }
0x44: {  	v2 =	vshll.u32 v2, $0x7;
	v3 =	vand.u32 $0xFFFFFC00, v3;
	v4 =	vor.u32 v6, v4;
	[tilespmem:s14], [sflag:$0x1] =	stream.indirect_vreg.gather [hbm4b:s3+s10], $0x1, v1, vm0, $0x4038;
	[tilespmem:$0x800] =	vst v63  }
0x45: {  	v1 =	vand.u32 $0x380, v2;
	v3 =	vadd.s32 v3, v4  }
0x46: {  	s17 =	sadd.s32 $0x10, s17;
	vm1 =	veq.s32 v0, $0x80000000;
	v2 =	vshrl.u32 v0, $0xC;
	v1 =	vor.u32 v1, v3  }
.Ltmp4:
0x47: {  	_ = 	snop;
	(pc) =	sbr.rel .LBB2_4-.Ltmp4, $1  }
0x48: {  	_ =	sdelay $0x3  }
.LBB2_6:
0x49: {  	_ =	sfence.sel $0x180000  }
0x4a: {  	s2 =	simm.s32 $0x2;
	[bflag:$0x0] =	sbarrier.arrive $0xFFFF  }
0x4b: {  	s30 =	simm.s32 $0x3;
	[sflag:s2] =	ssyncpa.u1 $0x1  }
0x4c: {  	s31 =	simm.s32 $0x1;
	[sflag:s30] =	ssyncpa.u1 $0x1  }
0x4d: {  	[sflag:s31] =	ssyncpa.u1 $0x1  }
0x4e: {  	p0 =	sne.s32 s1, $0x0;
	_ =	strace $0x9000004A  }
0x4f: {  	s0 =	sadd.s32 @!p0 $0x100000, s0;
	[bflag:$0x2] =	sbarrier.arrive $0xFFFF  }
0x50: {  	[sflag:s0] =	ssyncadd.tile.s32 @!p0 $0x1;
	_ =	shalt  }
.Lfunc_end2:
_tile_overlayer_lowered:
.L_overlay_start_2:
0x51: {  	(tag) =	ssettag $0x2  }
0x52: {  	s0 =	rddreg [dreg:$0x0];
	s2 =	stileid.u32  }
0x53: {  	s1 =	rddreg [dreg:$0x1];
	p0 =	sne.s32 s2, $0x0  }
0x54: {  	s3 =	rddreg [dreg:$0x2];
	[bflag:$0x3] =	sbarrier.arrive $0xFFFF;
	s2 =	simm.s32 @!p0 $0x1C01  }
0x55: {  	[timem:s3], [sflag:s2] =	dma.local @!p0 [hbm:s0], s1  }
0x56: {  	s0 =	simm.s32 @!p0 $0x1  }
0x57: {  	_ =	swait.ge @!p0 [sflag:s0], s1  }
0x58: {  	s1 =	ssub.s32 @!p0 $0x0, s1;
	[sflag:s0] =	ssyncset.done @!p0 $0x0  }
0x59: {  	[sflag:s0] =	ssyncadd.s32 @!p0 s1  }
0x5a: {  	[bflag:$0x3] =	sbarrier.arrive $0xFFFF  }
0x5b: {  	_ =	shalt  }

// kernel: gather_offload_async_start.3
scs
__scs_entry_jumppad:
0x0: {  	(pc) =	sbr.rel $0x88, $3  }
0x1: {  	(tag) =	ssettag $0x0;
	lr =	simm.s32 $0x1  }
0x2: {  	[smem:$0x3F77] =	sst lr;
	_ =	strace $0xD0000000  }
0x3: {  	_ = 	snop  }
0x4: {  	_ = 	snop  }
0x5: {  	_ = 	snop  }
0x6: {  	_ = 	snop  }
0x7: {  	_ = 	snop  }
__scs_overlays_trampoline_lowered:
0x8: {  	[smem:$0x3F86] =	sst s0  }
0x9: {  	[smem:$0x3F87] =	sst s1  }
0xa: {  	[smem:$0x3F88] =	sst s2  }
0xb: {  	[smem:$0x3F89] =	sst s3  }
0xc: {  	[smem:$0x3F8A] =	sst s4  }
0xd: {  	[smem:$0x3F8B] =	sst s5  }
0xe: {  	[smem:$0x3F8C] =	sst s6  }
0xf: {  	[smem:$0x3F8D] =	sst s7  }
0x10: {  	[smem:$0x3F8E] =	sst s8  }
0x11: {  	[smem:$0x3F8F] =	sst s9;
	s0 =	simm.s32 @!p0 $0x0  }
0x12: {  	s1 =	sld [smem:$0x3F75];
	s0 =	simm.s32 @p0 $0x1  }
0x13: {  	[smem:$0x3F90] =	sst s0;
	s0 =	simm.s32 @!p1 $0x0  }
0x14: {  	s2 =	sld [smem:$0x3F74];
	s0 =	simm.s32 @p1 $0x1  }
0x15: {  	[smem:$0x3F91] =	sst s0;
	s0 =	simm.s32 @!p2 $0x0  }
0x16: {  	s3 =	sld [smem:$0x3FDB];
	s0 =	simm.s32 @p2 $0x1  }
0x17: {  	s4 =	simm.s32 $0x1BF5;
	[smem:$0x3F93] =	sst s0  }
0x18: {  	s0 =	sld [smem:$0x3F76];
	_ =	swait.ge [sflag:s4], $0x0  }
0x19: {  	s7 =	sld [smem:$0x3F77]  }
0x1a: {  	s8 =	sadd.s32 $0xFFFFE003, lr  }
0x1b: {  	s9 =	sadd.s32 $0xFFFFFEF7, lr;
	s5 =	simm.s32 $0xFFFFFFFF;
	p2 =	slt.u32 s8, $0xFFFFF086  }
0x1c: {  	p1 =	slt.u32 s9, $0xF7A;
	s5 =	simm.s32 @!p2 $0x0  }
0x1d: {  	s5 =	simm.s32 @p1 $0x1;
	p0 =	seq.s32 s7, s2  }
0x1e: {  	s7 =	smul.u32 @!p0 $0xF7A, s2;
	p2 =	seq.s32 @!p0 s5, $0x0  }
0x1f: {  	s9 =	smul.u32 $0xF7A, s1;
	s8 =	simm.s32 @!p0 $0x1BF5;
	p2 =	por !p2, p0  }
0x20: {  	[sflag:s8] =	ssyncset.s32 @!p0 $0xFFFFF086;
	s6 =	sadd.s32 @!p0 s3, s7;
	s7 =	simm.s32 @!p0 $0x108  }
0x21: {  	s3 =	sadd.s32 s3, s9;
	s6 =	sadd.s32 @!p0 $0x88, s6;
	s7 =	simm.s32 @p2 $0x1082  }
0x22: {  	[simem:s7], [sflag:s8] =	dma.local @!p0 [hbm:s6], $0xF7A  }
0x23: {  	s9 =	sor.u32 $0xD0000000, s2;
	s6 =	simm.s32 $0x108;
	_ =	swait.ge @!p0 [sflag:s8], $0x0  }
0x24: {  	s3 =	sadd.s32 $0x88, s3;
	s6 =	simm.s32 @!p1 $0x1082;
	[sflag:s4] =	ssyncset.s32 $0xFFFFF086  }
0x25: {  	[simem:s6], [sflag:s4] =	dma.local [hbm:s3], $0xF7A  }
0x26: {  	[smem:$0x3F77] =	sst s1;
	(tag) =	ssettag s2;
	_ =	strace s9  }
0x27: {  	s1 =	sld [smem:$0x3F87]  }
0x28: {  	s2 =	sld [smem:$0x3F88]  }
0x29: {  	s4 =	sld [smem:$0x3F8A]  }
0x2a: {  	p0 =	seq.s32 s5, $0x0;
	s5 =	sld [smem:$0x3F8B]  }
0x2b: {  	s6 =	sld [smem:$0x3F8C]  }
0x2c: {  	s7 =	sld [smem:$0x3F8D]  }
0x2d: {  	s3 =	simm.s32 $0x108;
	s8 =	sld [smem:$0x3F8E]  }
0x2e: {  	s3 =	simm.s32 @!p0 $0x1082;
	s9 =	sld [smem:$0x3F8F]  }
0x2f: {  	lr =	sadd.s32 s0, s3;
	s0 =	sld [smem:$0x3F86]  }
0x30: {  	s3 =	sld [smem:$0x3F89]  }
0x31: {  	[smem:$0x3F92] =	sst s10  }
0x32: {  	s10 =	sld [smem:$0x3F90];
	_ =	sdelay $0x3  }
0x33: {  	p0 =	seq.s32 s10, $0x1;
	s10 =	sld [smem:$0x3F92];
	_ =	sdelay $0x3  }
0x34: {  	[smem:$0x3F92] =	sst s10  }
0x35: {  	s10 =	sld [smem:$0x3F91];
	_ =	sdelay $0x3  }
0x36: {  	p1 =	seq.s32 s10, $0x1;
	s10 =	sld [smem:$0x3F92];
	_ =	sdelay $0x3  }
0x37: {  	[smem:$0x3F92] =	sst s10  }
0x38: {  	s10 =	sld [smem:$0x3F93]  }
0x39: {  	_ = 	snop;
	(pc) =	sbr.ind lr, $3  }
0x3a: {  	_ = 	snop  }
0x3b: {  	_ = 	snop  }
0x3c: {  	p2 =	seq.s32 s10, $0x1;
	s10 =	sld [smem:$0x3F92]  }
0x3d: {  	_ =	shalt  }
0x3e: {  	_ =	shalt  }
0x3f: {  	_ =	shalt  }
0x40: {  	_ =	shalt  }
0x41: {  	_ =	shalt  }
0x42: {  	_ =	shalt  }
0x43: {  	_ =	shalt  }
0x44: {  	_ =	shalt  }
0x45: {  	_ =	shalt  }
0x46: {  	_ =	shalt  }
0x47: {  	_ =	shalt  }
0x48: {  	_ =	shalt  }
0x49: {  	_ =	shalt  }
0x4a: {  	_ =	shalt  }
0x4b: {  	_ =	shalt  }
0x4c: {  	_ =	shalt  }
0x4d: {  	_ =	shalt  }
0x4e: {  	_ =	shalt  }
0x4f: {  	_ =	shalt  }
0x50: {  	_ =	shalt  }
0x51: {  	_ =	shalt  }
0x52: {  	_ =	shalt  }
0x53: {  	_ =	shalt  }
0x54: {  	_ =	shalt  }
0x55: {  	_ =	shalt  }
0x56: {  	_ =	shalt  }
0x57: {  	_ =	shalt  }
0x58: {  	_ =	shalt  }
0x59: {  	_ =	shalt  }
0x5a: {  	_ =	shalt  }
0x5b: {  	_ =	shalt  }
0x5c: {  	_ =	shalt  }
0x5d: {  	_ =	shalt  }
0x5e: {  	_ =	shalt  }
0x5f: {  	_ =	shalt  }
0x60: {  	_ =	shalt  }
0x61: {  	_ =	shalt  }
0x62: {  	_ =	shalt  }
0x63: {  	_ =	shalt  }
0x64: {  	_ =	shalt  }
0x65: {  	_ =	shalt  }
0x66: {  	_ =	shalt  }
0x67: {  	_ =	shalt  }
0x68: {  	_ =	shalt  }
0x69: {  	_ =	shalt  }
0x6a: {  	_ =	shalt  }
0x6b: {  	_ =	shalt  }
0x6c: {  	_ =	shalt  }
0x6d: {  	_ =	shalt  }
0x6e: {  	_ =	shalt  }
0x6f: {  	_ =	shalt  }
0x70: {  	_ =	shalt  }
0x71: {  	_ =	shalt  }
0x72: {  	_ =	shalt  }
0x73: {  	_ =	shalt  }
0x74: {  	_ =	shalt  }
0x75: {  	_ =	shalt  }
0x76: {  	_ =	shalt  }
0x77: {  	_ =	shalt  }
0x78: {  	_ =	shalt  }
0x79: {  	_ =	shalt  }
0x7a: {  	_ =	shalt  }
0x7b: {  	_ =	shalt  }
0x7c: {  	_ =	shalt  }
0x7d: {  	_ =	shalt  }
0x7e: {  	_ =	shalt  }
0x7f: {  	_ =	shalt  }
0x80: {  	_ =	shalt  }
0x81: {  	_ =	shalt  }
0x82: {  	_ =	shalt  }
0x83: {  	_ =	shalt  }
0x84: {  	_ =	shalt  }
0x85: {  	_ =	shalt  }
0x86: {  	_ =	shalt  }
0x87: {  	_ =	shalt  }
.Lfunc_end0:
.L_simem_size_0:
called_computation.4_lowered:
.L_overlay_start_0:
0x88: {  	s2 =	sld [smem:$0x3FD9]  }
0x89: {  	s3 =	sld [smem:$0x3FFE];
	_ =	sdelay $0x1  }
0x8a: {  	s1 =	srdreg.scid  }
0x8b: {  	s0 =	sand.u32 $0x1, s1  }
0x8c: {  	s16 =	sshll.u32 s0, $0xA;
	s2 =	sadd.s32 s3, s2  }
0x8d: {  	s2 =	sadd.s32 s2, s16  }
0x8e: {  	[smem:$0x3F9E] =	sst s2  }
0x8f: {  	_ = 	snop  }
0x90: {  	(tm) =	ssettm $0x1  }
0x91: {  	s17 =	sld [smem:$0x3FFB];
	_ =	sdelay $0x3  }
0x92: {  	_ =	strace s17  }
0x93: {  	s2 =	sld [smem:$0x3FFC];
	_ =	sdelay $0x3  }
0x94: {  	_ =	strace s2  }
0x95: {  	s2 =	sld [smem:$0x3FFD];
	_ =	sdelay $0x3  }
0x96: {  	_ =	strace s2  }
0x97: {  	_ =	strace $0x8FFFFFFF  }
0x98: {  	s18 =	sld [smem:$0x3FDB];
	_ =	sdelay $0x1  }
0x99: {  	s19 =	simm.s32 $_scs_section_size  }
0x9a: {  	s4 =	simm.s32 $_size__tile_overlayer_lowered;
	s5 =	simm.s32 $_tile_overlayer_lowered  }
0x9b: {  	s22 =	simm.s32 $0x1BFF;
	s21 =	sshll.u32 s5, $0x1;
	s2 =	sadd.s32 s19, s18  }
0x9c: {  	s6 =	simm.s32 $0x0;
	s20 =	sshll.u32 s4, $0x1;
	s4 =	sadd.s32 s21, s2  }
0x9d: {  	[timem:s6], [sflag:s22] =	dma.local [hbm:s4], s20  }
0x9e: {  	_ =	swait.ge [sflag:s22], s20  }
0x9f: {  	s3 =	ssub.s32 $0x0, s20;
	[sflag:s22] =	ssyncset.done $0x0  }
0xa0: {  	[sflag:s22] =	ssyncadd.s32 s3;
	_ =	sdelay $0x1  }
0xa1: {  	s23 =	simm.s32 $0x1B8B  }
0xa2: {  	_ =	swait.ge [sflag:s23], $0x1  }
0xa3: {  	[sflag:s23] =	ssyncset.done $0x0  }
0xa4: {  	s25 =	simm.s32 $0x1B8E;
	s24 =	sld [smem:$0x3FFE];
	[sflag:s23] =	ssyncadd.s32 $0xFFFFFFFF  }
0xa5: {  	s26 =	simm.s32 $execute0_lowered;
	[smem:$0x3FD2] =	sst s25  }
0xa6: {  	s4 =	sshll.u32 s26, $0x1;
	_ =	strace $0x8000004F;
	[dreg:$0x1] =	wrdreg $0xFFFFFFFF  }
0xa7: {  	s28 =	simm.s32 $_size_execute0_lowered;
	s2 =	sadd.s32 s2, s4;
	[dreg:$0x0] =	wrdreg $0x0  }
0xa8: {  	s4 =	sshll.u32 s28, $0x1;
	[dreg:$0x2] =	wrdreg s2  }
0xa9: {  	[dreg:$0x3] =	wrdreg s4  }
0xaa: {  	[dreg:$0x4] =	wrdreg $0xC0  }
0xab: {  	_ =	task [dreg:s6], $0x5FFFF  }
0xac: {  	[dreg:$0x1] =	wrdreg $0xFFFFFFFF  }
0xad: {  	[dreg:$0x0] =	wrdreg $0x60  }
0xae: {  	[dreg:$0x2] =	wrdreg s24  }
0xaf: {  	[dreg:$0x3] =	wrdreg $0x9  }
0xb0: {  	_ =	task.clear_ibuf [dreg:s6], $0x4FFFF;
	_ =	strace $0x9000004F  }
0xb1: {  	s29 =	simm.s32 $0x9;
	_ =	strace $0x80000051  }
0xb2: {  	_ =	swait.ge [sflag:s29], $0x1  }
0xb3: {  	[sflag:s29] =	ssyncadd.s32 $0xFFFFFFFF  }
0xb4: {  	_ =	strace $0x90000051  }
0xb5: {  	_ =	sfence  }
0xb6: {  	s30 =	sld [smem:$0x0];
	_ =	sdelay $0x2  }
0xb7: {  	s31 =	sshll.u32 s1, $0xD;
	s1 =	sshrl.u32 s1, $0x2  }
0xb8: {  	s3 =	sand.u32 $0x4000, s31;
	s1 =	sadd.s32 s1, s30  }
0xb9: {  	s0 =	sor.u32 s3, s0;
	s1 =	sshll.u32 s1, $0x11  }
0xba: {  	s0 =	sor.u32 s1, s0  }
0xbb: {  	s0 =	sadd.s32 $0x8F2B, s0  }
0xbc: {  	[sflag:s0] =	ssyncadd.remote.s32 $0x1  }
0xbd: {  	_ =	sfence.sel $0xFFFF  }
0xbe: {  	[dreg:$0x0] =	wrdreg $0xFFFFFFFF;
	(pc) =	sbr.abs _section_cstart, $3  }
0xbf: {  	[dreg:$0x1] =	wrdreg $0xFFFFFFFF  }
0xc0: {  	_ =	task.clear_ibuf [dreg:s6], $0x2FFFF;
	_ =	strace $0x9FFFFFFF  }
0xc1: {  	(tm) =	ssettm $0x7FFFFFFF  }
tec
execute0_lowered:
.L_overlay_start_1:
0x0: {  	(tag) =	ssettag $0x1  }
0x1: {  	s0 =	srdreg.scid;
	s5 =	rddreg [dreg:$0x0]  }
0x2: {  	s1 =	stileid.u32;
	s6 =	simm.s32 $0x1;
	s9 =	simm.s32 $0x1  }
0x3: {  	s10 =	simm.s32 $0x3;
	s13 =	simm.s32 $0x0;
	s2 =	sshll.u32 s0, $0x9  }
0x4: {  	s12 =	simm.s32 $0x0;
	s3 =	sshll.u32 s1, $0xA;
	s2 =	sand.u32 $0x200, s2  }
0x5: {  	s0 =	rddreg [dreg:$0x1];
	_ =	strace $0x80000050;
	s2 =	sor.u32 s3, s2  }
0x6: {  	s4 =	sadd.s32 $0x14BF200, s5;
	[sflag:s6] =	ssyncpa.u1 $0x0;
	s8 =	ssub.s32 $0x8000, s2  }
.Ltmp0:
0x7: {  	s3 =	sadd.s32 $0x80200, s5;
	s7 =	sand.u32 $0x3E00, s8;
	(pc) =	sbr.rel .LBB2_1-.Ltmp0, $4  }
0x8: {  	s5 =	sadd.s32 $0x81200, s5;
	s11 =	smov.u32 s2;
	p0 =	sne.s32 s7, $0x0  }
0x9: {  	s8 =	sshrl.u32 s8, $0xE;
	s7 =	simm.s32 $0x2;
	s9 =	simm.s32 @!p0 $0x0  }
0xa: {  	[sflag:s7] =	ssyncpa.u1 $0x0;
	p0 =	por $0x0, $0x0;
	s8 =	sadd.s32 s9, s8  }
0xb: {  	vm0 =	vmmov $0xffff;
	[sflag:s10] =	ssyncpa.u1 $0x0;
	s10 =	simm.s32 $0x0;
	s9 =	sadd.s32 $0x1, s8  }
.LBB2_4:
0xc: {  	v3 =	vshrl.u32 v0, $0x1;
	v2 =	vand.u32 $0x7, v2;
	v63 =	vshll.u32 v0, $0xE  }
0xd: {  	v3 =	vand.u32 $0x7FF, v3;
	v2 =	vsel vm1, $0xFFFFFFFF, v2;
	v0 =	vand.u32 $0x4000, v63  }
0xe: {  	v3 =	vsel vm1, $0xFFFFFFFF, v3;
	v0 =	vsel vm1, $0xFFFFC000, v0;
	v4 =	vand.u32 $0xFFFFC000, v2  }
0xf: {  	v5 =	vand.u32 $0x7F, v3;
	v0 =	vadd.s32 v0, v4;
	v3 =	vshll.u32 v3, $0x3  }
0x10: {  	v2 =	vshll.u32 v2, $0x7;
	v3 =	vand.u32 $0xFFFFFC00, v3;
	v0 =	vor.u32 v5, v0  }
0x11: {  	v2 =	vand.u32 $0x380, v2;
	v0 =	vadd.s32 v3, v0  }
0x12: {  	v0 =	vor.u32 v2, v0;
	_ =	sdelay $0x1  }
0x13: {  	(ifvalue) =	ssetifvalue $0x7FFFFFFF;
	s14 =	sadd.s32 $0x10, s14  }
0x14: {  	[tilespmem:s14], [sflag:$0x1] =	stream.indirect_vreg.gather [hbm4b:s3+s10], $0x1, v1, vm0, $0x4038;
	[tilespmem:$0x800] =	vst v63  }
0x15: {  	(ifvalue) =	ssetifvalue $0x7FFFFFFF;
	s14 =	sadd.s32 $0x10, s14  }
0x16: {  	[tilespmem:s14], [sflag:$0x1] =	stream.indirect_vreg.gather [hbm4b:s3+s10], $0x1, v0, vm0, $0x4038;
	[tilespmem:$0x800] =	vst v63  }
0x17: {  	_ =	swait.ge [sflag:s6], $0x200  }
0x18: {  	s30 =	sshrl.u32 s13, $0x3;
	[sflag:s6] =	ssyncset.done $0x0  }
0x19: {  	s31 =	sand.u32 $0x7, s13;
	s14 =	sadd.s32 s5, s30;
	[sflag:s6] =	ssyncadd.s32 $0xFFFFFE00  }
0x1a: {  	[hbm4b:s14+s31] =	stream.linear.scatter [tilespmem:s15], [sflag:$0x3], $0x200, $0x38;
	[tilespmem:$0x800] =	vst v63  }
.LBB2_5:
0x1b: {  	s15 =	sadd.s32 $0x4000, s11  }
0x1c: {  	p2 =	sgt.s32 s15, $0x7FFF  }
0x1d: {  	s15 =	smov.u32 @p2 s2;
	p2 =	sne.s32 s12, s9  }
.Ltmp1:
0x1e: {  	p1 =	slt.u32 s12, $0x2;
	(pc) =	sbr.rel @!p2 .LBB2_6-.Ltmp1, $4  }
0x1f: {  	s14 =	simm.s32 @!p1 $0x3  }
0x20: {  	s16 =	sadd.s32 $0x1, s12;
	_ =	swait.ge @!p1 [sflag:s14], $0x200  }
0x21: {  	s13 =	smov.u32 s11;
	p0 =	por !p0, !p0;
	[sflag:s14] =	ssyncset.done @!p1 $0x0  }
0x22: {  	s12 =	smov.u32 s16;
	s11 =	smov.u32 s15;
	[sflag:s14] =	ssyncadd.s32 @!p1 $0xFFFFFE00  }
.LBB2_1:
0x23: {  	p1 =	sge.u32 s12, s8  }
0x24: {  	s14 =	sxor.u32 @!p1 $0xFFFFFFFF, s12  }
0x25: {  	s31 =	sadd.s32 $0xFFFFFFFF, s12;
	s15 =	sshrl.u32 @!p1 s11, $0x3;
	s14 =	sshll.u32 @!p1 s14, $0x9  }
0x26: {  	s16 =	sand.u32 @!p1 $0x7, s11;
	s15 =	sadd.s32 @!p1 s4, s15;
	s14 =	sand.u32 @!p1 $0x200, s14  }
0x27: {  	[tilespmem:s14], [sflag:$0x2] =	stream.linear.gather @!p1 [hbm4b:s15+s16], $0x200, $0x38;
	[tilespmem:$0x800] =	vst v63  }
0x28: {  	p1 =	sge.u32 s31, s8  }
.Ltmp2:
0x29: {  	_ = 	snop;
	(pc) =	sbr.rel @p1 .LBB2_5-.Ltmp2, $1  }
0x2a: {  	_ =	sdelay $0x3  }
0x2b: {  	s14 =	simm.s32 $0x1  }
0x2c: {  	_ =	swait.ge [sflag:s7], $0x200;
	s14 =	simm.s32 @!p0 $0x0  }
0x2d: {  	[sflag:s7] =	ssyncset.done $0x0;
	s14 =	sshll.u32 s14, $0x9  }
0x2e: {  	[sflag:s7] =	ssyncadd.s32 $0xFFFFFE00;
	(ifvalue) =	ssetifvalue $0x7FFFFFFF;
	v0 =	vld.msk [tilespmem:s14+$0x0 ss:$0x1], $0xffff;
	_ =	sdelay $0x1  }
0x2f: {  	s15 =	sadd.s32 $0x10, s14  }
0x30: {  	v3 =	vld.msk [tilespmem:s15+$0x0 ss:$0x1], $0xffff;
	_ =	sdelay $0x1  }
0x31: {  	vm1 =	veq.s32 v0, $0x80000000  }
0x32: {  	v1 =	vshrl.u32 v0, $0xC;
	v2 =	vshrl.u32 v0, $0x1;
	v0 =	vshll.u32 v0, $0xE  }
0x33: {  	v1 =	vand.u32 $0x7, v1;
	v2 =	vand.u32 $0x7FF, v2;
	v0 =	vand.u32 $0x4000, v0  }
0x34: {  	v62 =	vshrl.u32 v3, $0x1;
	v1 =	vsel vm1, $0xFFFFFFFF, v1;
	v2 =	vsel vm1, $0xFFFFFFFF, v2  }
0x35: {  	v0 =	vsel vm1, $0xFFFFC000, v0;
	vm1 =	veq.s32 v3, $0x80000000;
	v4 =	vand.u32 $0xFFFFC000, v1  }
0x36: {  	v5 =	vand.u32 $0x7F, v2;
	v2 =	vshll.u32 v2, $0x3;
	v0 =	vadd.s32 v0, v4  }
0x37: {  	v1 =	vshll.u32 v1, $0x7;
	v2 =	vand.u32 $0xFFFFFC00, v2;
	v0 =	vor.u32 v5, v0  }
0x38: {  	v1 =	vand.u32 $0x380, v1;
	v0 =	vadd.s32 v2, v0;
	v2 =	vshrl.u32 v3, $0xC  }
0x39: {  	s17 =	sadd.s32 $0x10, s15;
	v3 =	vshll.u32 v3, $0xE;
	v1 =	vor.u32 v1, v0;
	v2 =	vand.u32 $0x7, v2  }
0x3a: {  	v4 =	vand.u32 $0x7FF, v62;
	v0 =	vld.msk [tilespmem:s17+$0x0 ss:$0x1], $0xffff;
	v3 =	vand.u32 $0x4000, v3;
	v2 =	vsel vm1, $0xFFFFFFFF, v2  }
0x3b: {  	v4 =	vsel vm1, $0xFFFFFFFF, v4;
	v3 =	vsel vm1, $0xFFFFC000, v3;
	v63 =	vand.u32 $0xFFFFC000, v2  }
0x3c: {  	s31 =	sshll.u32 s12, $0x9;
	v6 =	vand.u32 $0x7F, v4;
	v4 =	vshll.u32 v4, $0x3;
	v3 =	vadd.s32 v3, v63  }
0x3d: {  	s14 =	sor.u32 $0x400, s14;
	s15 =	sand.u32 $0x200, s31;
	(ifvalue) =	ssetifvalue $0x7FFFFFFF;
	v4 =	vand.u32 $0xFFFFFC00, v4;
	v2 =	vshll.u32 v2, $0x7;
	v3 =	vor.u32 v6, v3  }
0x3e: {  	[tilespmem:s14], [sflag:$0x1] =	stream.indirect_vreg.gather [hbm4b:s3+s10], $0x1, v1, vm0, $0x4038;
	v1 =	vand.u32 $0x380, v2;
	v3 =	vadd.s32 v4, v3;
	[tilespmem:$0x800] =	vst v63  }
0x3f: {  	s16 =	simm.s32 $0x20;
	s15 =	sor.u32 $0x400, s15;
	s17 =	sadd.s32 $0x10, s17;
	vm1 =	veq.s32 v0, $0x80000000;
	v2 =	vshrl.u32 v0, $0xC;
	v1 =	vor.u32 v1, v3  }
.LBB2_3:
0x40: {  	s16 =	sadd.s32 $0x10, s16;
	v3 =	vshrl.u32 v0, $0x1;
	v2 =	vand.u32 $0x7, v2;
	v4 =	vshll.u32 v0, $0xE;
	v0 =	vld.msk [tilespmem:s17+$0x0 ss:$0x1], $0xffff  }
0x41: {  	p1 =	slt.u32 s16, $0x1F0;
	v3 =	vand.u32 $0x7FF, v3;
	v2 =	vsel vm1, $0xFFFFFFFF, v2;
	v4 =	vand.u32 $0x4000, v4  }
.Ltmp3:
0x42: {  	v3 =	vsel vm1, $0xFFFFFFFF, v3;
	v4 =	vsel vm1, $0xFFFFC000, v4;
	v5 =	vand.u32 $0xFFFFC000, v2;
	(pc) =	sbr.rel @p1 .LBB2_3-.Ltmp3, $4  }
0x43: {  	s14 =	sadd.s32 $0x10, s14;
	v6 =	vand.u32 $0x7F, v3;
	v4 =	vadd.s32 v4, v5;
	v3 =	vshll.u32 v3, $0x3;
	(ifvalue) =	ssetifvalue $0x7FFFFFFF  }
0x44: {  	v2 =	vshll.u32 v2, $0x7;
	v3 =	vand.u32 $0xFFFFFC00, v3;
	v4 =	vor.u32 v6, v4;
	[tilespmem:s14], [sflag:$0x1] =	stream.indirect_vreg.gather [hbm4b:s3+s10], $0x1, v1, vm0, $0x4038;
	[tilespmem:$0x800] =	vst v63  }
0x45: {  	v1 =	vand.u32 $0x380, v2;
	v3 =	vadd.s32 v3, v4  }
0x46: {  	s17 =	sadd.s32 $0x10, s17;
	vm1 =	veq.s32 v0, $0x80000000;
	v2 =	vshrl.u32 v0, $0xC;
	v1 =	vor.u32 v1, v3  }
.Ltmp4:
0x47: {  	_ = 	snop;
	(pc) =	sbr.rel .LBB2_4-.Ltmp4, $1  }
0x48: {  	_ =	sdelay $0x3  }
.LBB2_6:
0x49: {  	_ =	sfence.sel $0x180000  }
0x4a: {  	s2 =	simm.s32 $0x2;
	[bflag:$0x0] =	sbarrier.arrive $0xFFFF  }
0x4b: {  	s30 =	simm.s32 $0x3;
	[sflag:s2] =	ssyncpa.u1 $0x1  }
0x4c: {  	s31 =	simm.s32 $0x1;
	[sflag:s30] =	ssyncpa.u1 $0x1  }
0x4d: {  	[sflag:s31] =	ssyncpa.u1 $0x1  }
0x4e: {  	p0 =	sne.s32 s1, $0x0;
	_ =	strace $0x90000050  }
0x4f: {  	s0 =	sadd.s32 @!p0 $0x100000, s0;
	[bflag:$0x2] =	sbarrier.arrive $0xFFFF  }
0x50: {  	[sflag:s0] =	ssyncadd.tile.s32 @!p0 $0x1;
	_ =	shalt  }
.Lfunc_end2:
_tile_overlayer_lowered:
.L_overlay_start_2:
0x51: {  	(tag) =	ssettag $0x2  }
0x52: {  	s0 =	rddreg [dreg:$0x0];
	s2 =	stileid.u32  }
0x53: {  	s1 =	rddreg [dreg:$0x1];
	p0 =	sne.s32 s2, $0x0  }
0x54: {  	s3 =	rddreg [dreg:$0x2];
	[bflag:$0x3] =	sbarrier.arrive $0xFFFF;
	s2 =	simm.s32 @!p0 $0x1C01  }
0x55: {  	[timem:s3], [sflag:s2] =	dma.local @!p0 [hbm:s0], s1  }
0x56: {  	s0 =	simm.s32 @!p0 $0x1  }
0x57: {  	_ =	swait.ge @!p0 [sflag:s0], s1  }
0x58: {  	s1 =	ssub.s32 @!p0 $0x0, s1;
	[sflag:s0] =	ssyncset.done @!p0 $0x0  }
0x59: {  	[sflag:s0] =	ssyncadd.s32 @!p0 s1  }
0x5a: {  	[bflag:$0x3] =	sbarrier.arrive $0xFFFF  }
0x5b: {  	_ =	shalt  }

// kernel: gather_offload_async_start
scs
__scs_entry_jumppad:
0x0: {  	(pc) =	sbr.rel $0x88, $3  }
0x1: {  	(tag) =	ssettag $0x0;
	lr =	simm.s32 $0x1  }
0x2: {  	[smem:$0x3F77] =	sst lr;
	_ =	strace $0xD0000000  }
0x3: {  	_ = 	snop  }
0x4: {  	_ = 	snop  }
0x5: {  	_ = 	snop  }
0x6: {  	_ = 	snop  }
0x7: {  	_ = 	snop  }
__scs_overlays_trampoline_lowered:
0x8: {  	[smem:$0x3F86] =	sst s0  }
0x9: {  	[smem:$0x3F87] =	sst s1  }
0xa: {  	[smem:$0x3F88] =	sst s2  }
0xb: {  	[smem:$0x3F89] =	sst s3  }
0xc: {  	[smem:$0x3F8A] =	sst s4  }
0xd: {  	[smem:$0x3F8B] =	sst s5  }
0xe: {  	[smem:$0x3F8C] =	sst s6  }
0xf: {  	[smem:$0x3F8D] =	sst s7  }
0x10: {  	[smem:$0x3F8E] =	sst s8  }
0x11: {  	[smem:$0x3F8F] =	sst s9;
	s0 =	simm.s32 @!p0 $0x0  }
0x12: {  	s1 =	sld [smem:$0x3F75];
	s0 =	simm.s32 @p0 $0x1  }
0x13: {  	[smem:$0x3F90] =	sst s0;
	s0 =	simm.s32 @!p1 $0x0  }
0x14: {  	s2 =	sld [smem:$0x3F74];
	s0 =	simm.s32 @p1 $0x1  }
0x15: {  	[smem:$0x3F91] =	sst s0;
	s0 =	simm.s32 @!p2 $0x0  }
0x16: {  	s3 =	sld [smem:$0x3FDB];
	s0 =	simm.s32 @p2 $0x1  }
0x17: {  	s4 =	simm.s32 $0x1BF5;
	[smem:$0x3F93] =	sst s0  }
0x18: {  	s0 =	sld [smem:$0x3F76];
	_ =	swait.ge [sflag:s4], $0x0  }
0x19: {  	s7 =	sld [smem:$0x3F77]  }
0x1a: {  	s8 =	sadd.s32 $0xFFFFE003, lr  }
0x1b: {  	s9 =	sadd.s32 $0xFFFFFEF7, lr;
	s5 =	simm.s32 $0xFFFFFFFF;
	p2 =	slt.u32 s8, $0xFFFFF086  }
0x1c: {  	p1 =	slt.u32 s9, $0xF7A;
	s5 =	simm.s32 @!p2 $0x0  }
0x1d: {  	s5 =	simm.s32 @p1 $0x1;
	p0 =	seq.s32 s7, s2  }
0x1e: {  	s7 =	smul.u32 @!p0 $0xF7A, s2;
	p2 =	seq.s32 @!p0 s5, $0x0  }
0x1f: {  	s9 =	smul.u32 $0xF7A, s1;
	s8 =	simm.s32 @!p0 $0x1BF5;
	p2 =	por !p2, p0  }
0x20: {  	[sflag:s8] =	ssyncset.s32 @!p0 $0xFFFFF086;
	s6 =	sadd.s32 @!p0 s3, s7;
	s7 =	simm.s32 @!p0 $0x108  }
0x21: {  	s3 =	sadd.s32 s3, s9;
	s6 =	sadd.s32 @!p0 $0x88, s6;
	s7 =	simm.s32 @p2 $0x1082  }
0x22: {  	[simem:s7], [sflag:s8] =	dma.local @!p0 [hbm:s6], $0xF7A  }
0x23: {  	s9 =	sor.u32 $0xD0000000, s2;
	s6 =	simm.s32 $0x108;
	_ =	swait.ge @!p0 [sflag:s8], $0x0  }
0x24: {  	s3 =	sadd.s32 $0x88, s3;
	s6 =	simm.s32 @!p1 $0x1082;
	[sflag:s4] =	ssyncset.s32 $0xFFFFF086  }
0x25: {  	[simem:s6], [sflag:s4] =	dma.local [hbm:s3], $0xF7A  }
0x26: {  	[smem:$0x3F77] =	sst s1;
	(tag) =	ssettag s2;
	_ =	strace s9  }
0x27: {  	s1 =	sld [smem:$0x3F87]  }
0x28: {  	s2 =	sld [smem:$0x3F88]  }
0x29: {  	s4 =	sld [smem:$0x3F8A]  }
0x2a: {  	p0 =	seq.s32 s5, $0x0;
	s5 =	sld [smem:$0x3F8B]  }
0x2b: {  	s6 =	sld [smem:$0x3F8C]  }
0x2c: {  	s7 =	sld [smem:$0x3F8D]  }
0x2d: {  	s3 =	simm.s32 $0x108;
	s8 =	sld [smem:$0x3F8E]  }
0x2e: {  	s3 =	simm.s32 @!p0 $0x1082;
	s9 =	sld [smem:$0x3F8F]  }
0x2f: {  	lr =	sadd.s32 s0, s3;
	s0 =	sld [smem:$0x3F86]  }
0x30: {  	s3 =	sld [smem:$0x3F89]  }
0x31: {  	[smem:$0x3F92] =	sst s10  }
0x32: {  	s10 =	sld [smem:$0x3F90];
	_ =	sdelay $0x3  }
0x33: {  	p0 =	seq.s32 s10, $0x1;
	s10 =	sld [smem:$0x3F92];
	_ =	sdelay $0x3  }
0x34: {  	[smem:$0x3F92] =	sst s10  }
0x35: {  	s10 =	sld [smem:$0x3F91];
	_ =	sdelay $0x3  }
0x36: {  	p1 =	seq.s32 s10, $0x1;
	s10 =	sld [smem:$0x3F92];
	_ =	sdelay $0x3  }
0x37: {  	[smem:$0x3F92] =	sst s10  }
0x38: {  	s10 =	sld [smem:$0x3F93]  }
0x39: {  	_ = 	snop;
	(pc) =	sbr.ind lr, $3  }
0x3a: {  	_ = 	snop  }
0x3b: {  	_ = 	snop  }
0x3c: {  	p2 =	seq.s32 s10, $0x1;
	s10 =	sld [smem:$0x3F92]  }
0x3d: {  	_ =	shalt  }
0x3e: {  	_ =	shalt  }
0x3f: {  	_ =	shalt  }
0x40: {  	_ =	shalt  }
0x41: {  	_ =	shalt  }
0x42: {  	_ =	shalt  }
0x43: {  	_ =	shalt  }
0x44: {  	_ =	shalt  }
0x45: {  	_ =	shalt  }
0x46: {  	_ =	shalt  }
0x47: {  	_ =	shalt  }
0x48: {  	_ =	shalt  }
0x49: {  	_ =	shalt  }
0x4a: {  	_ =	shalt  }
0x4b: {  	_ =	shalt  }
0x4c: {  	_ =	shalt  }
0x4d: {  	_ =	shalt  }
0x4e: {  	_ =	shalt  }
0x4f: {  	_ =	shalt  }
0x50: {  	_ =	shalt  }
0x51: {  	_ =	shalt  }
0x52: {  	_ =	shalt  }
0x53: {  	_ =	shalt  }
0x54: {  	_ =	shalt  }
0x55: {  	_ =	shalt  }
0x56: {  	_ =	shalt  }
0x57: {  	_ =	shalt  }
0x58: {  	_ =	shalt  }
0x59: {  	_ =	shalt  }
0x5a: {  	_ =	shalt  }
0x5b: {  	_ =	shalt  }
0x5c: {  	_ =	shalt  }
0x5d: {  	_ =	shalt  }
0x5e: {  	_ =	shalt  }
0x5f: {  	_ =	shalt  }
0x60: {  	_ =	shalt  }
0x61: {  	_ =	shalt  }
0x62: {  	_ =	shalt  }
0x63: {  	_ =	shalt  }
0x64: {  	_ =	shalt  }
0x65: {  	_ =	shalt  }
0x66: {  	_ =	shalt  }
0x67: {  	_ =	shalt  }
0x68: {  	_ =	shalt  }
0x69: {  	_ =	shalt  }
0x6a: {  	_ =	shalt  }
0x6b: {  	_ =	shalt  }
0x6c: {  	_ =	shalt  }
0x6d: {  	_ =	shalt  }
0x6e: {  	_ =	shalt  }
0x6f: {  	_ =	shalt  }
0x70: {  	_ =	shalt  }
0x71: {  	_ =	shalt  }
0x72: {  	_ =	shalt  }
0x73: {  	_ =	shalt  }
0x74: {  	_ =	shalt  }
0x75: {  	_ =	shalt  }
0x76: {  	_ =	shalt  }
0x77: {  	_ =	shalt  }
0x78: {  	_ =	shalt  }
0x79: {  	_ =	shalt  }
0x7a: {  	_ =	shalt  }
0x7b: {  	_ =	shalt  }
0x7c: {  	_ =	shalt  }
0x7d: {  	_ =	shalt  }
0x7e: {  	_ =	shalt  }
0x7f: {  	_ =	shalt  }
0x80: {  	_ =	shalt  }
0x81: {  	_ =	shalt  }
0x82: {  	_ =	shalt  }
0x83: {  	_ =	shalt  }
0x84: {  	_ =	shalt  }
0x85: {  	_ =	shalt  }
0x86: {  	_ =	shalt  }
0x87: {  	_ =	shalt  }
.Lfunc_end0:
.L_simem_size_0:
called_computation.1_lowered:
.L_overlay_start_0:
0x88: {  	s2 =	sld [smem:$0x3FD9]  }
0x89: {  	s3 =	sld [smem:$0x3FFE];
	_ =	sdelay $0x1  }
0x8a: {  	s1 =	srdreg.scid  }
0x8b: {  	s0 =	sand.u32 $0x1, s1  }
0x8c: {  	s16 =	sshll.u32 s0, $0xA;
	s2 =	sadd.s32 s3, s2  }
0x8d: {  	s2 =	sadd.s32 s2, s16  }
0x8e: {  	[smem:$0x3F9E] =	sst s2  }
0x8f: {  	_ = 	snop  }
0x90: {  	(tm) =	ssettm $0x1  }
0x91: {  	s17 =	sld [smem:$0x3FFB];
	_ =	sdelay $0x3  }
0x92: {  	_ =	strace s17  }
0x93: {  	s2 =	sld [smem:$0x3FFC];
	_ =	sdelay $0x3  }
0x94: {  	_ =	strace s2  }
0x95: {  	s2 =	sld [smem:$0x3FFD];
	_ =	sdelay $0x3  }
0x96: {  	_ =	strace s2  }
0x97: {  	_ =	strace $0x8FFFFFFF  }
0x98: {  	s18 =	sld [smem:$0x3FDB];
	_ =	sdelay $0x1  }
0x99: {  	s19 =	simm.s32 $_scs_section_size  }
0x9a: {  	s4 =	simm.s32 $_size__tile_overlayer_lowered;
	s5 =	simm.s32 $_tile_overlayer_lowered  }
0x9b: {  	s22 =	simm.s32 $0x1BFF;
	s21 =	sshll.u32 s5, $0x1;
	s2 =	sadd.s32 s19, s18  }
0x9c: {  	s6 =	simm.s32 $0x0;
	s20 =	sshll.u32 s4, $0x1;
	s4 =	sadd.s32 s21, s2  }
0x9d: {  	[timem:s6], [sflag:s22] =	dma.local [hbm:s4], s20  }
0x9e: {  	_ =	swait.ge [sflag:s22], s20  }
0x9f: {  	s3 =	ssub.s32 $0x0, s20;
	[sflag:s22] =	ssyncset.done $0x0  }
0xa0: {  	[sflag:s22] =	ssyncadd.s32 s3;
	_ =	sdelay $0x1  }
0xa1: {  	s23 =	simm.s32 $0x1B8B  }
0xa2: {  	_ =	swait.ge [sflag:s23], $0x1  }
0xa3: {  	[sflag:s23] =	ssyncset.done $0x0  }
0xa4: {  	s25 =	simm.s32 $0x1B8E;
	s24 =	sld [smem:$0x3FFE];
	[sflag:s23] =	ssyncadd.s32 $0xFFFFFFFF  }
0xa5: {  	s26 =	simm.s32 $execute0_lowered;
	[smem:$0x3FD2] =	sst s25  }
0xa6: {  	s4 =	sshll.u32 s26, $0x1;
	_ =	strace $0x80000046;
	[dreg:$0x1] =	wrdreg $0xFFFFFFFF  }
0xa7: {  	s28 =	simm.s32 $_size_execute0_lowered;
	s2 =	sadd.s32 s2, s4;
	[dreg:$0x0] =	wrdreg $0x0  }
0xa8: {  	s4 =	sshll.u32 s28, $0x1;
	[dreg:$0x2] =	wrdreg s2  }
0xa9: {  	[dreg:$0x3] =	wrdreg s4  }
0xaa: {  	[dreg:$0x4] =	wrdreg $0xC0  }
0xab: {  	_ =	task [dreg:s6], $0x5FFFF  }
0xac: {  	[dreg:$0x1] =	wrdreg $0xFFFFFFFF  }
0xad: {  	[dreg:$0x0] =	wrdreg $0x60  }
0xae: {  	[dreg:$0x2] =	wrdreg s24  }
0xaf: {  	[dreg:$0x3] =	wrdreg $0x9  }
0xb0: {  	_ =	task.clear_ibuf [dreg:s6], $0x4FFFF;
	_ =	strace $0x90000046  }
0xb1: {  	s29 =	simm.s32 $0x9;
	_ =	strace $0x80000048  }
0xb2: {  	_ =	swait.ge [sflag:s29], $0x1  }
0xb3: {  	[sflag:s29] =	ssyncadd.s32 $0xFFFFFFFF  }
0xb4: {  	_ =	strace $0x90000048  }
0xb5: {  	_ =	sfence  }
0xb6: {  	s30 =	sld [smem:$0x0];
	_ =	sdelay $0x2  }
0xb7: {  	s31 =	sshll.u32 s1, $0xD;
	s1 =	sshrl.u32 s1, $0x2  }
0xb8: {  	s3 =	sand.u32 $0x4000, s31;
	s1 =	sadd.s32 s1, s30  }
0xb9: {  	s0 =	sor.u32 s3, s0;
	s1 =	sshll.u32 s1, $0x11  }
0xba: {  	s0 =	sor.u32 s1, s0  }
0xbb: {  	s0 =	sadd.s32 $0x8F2B, s0  }
0xbc: {  	[sflag:s0] =	ssyncadd.remote.s32 $0x1  }
0xbd: {  	_ =	sfence.sel $0xFFFF  }
0xbe: {  	[dreg:$0x0] =	wrdreg $0xFFFFFFFF;
	(pc) =	sbr.abs _section_cstart, $3  }
0xbf: {  	[dreg:$0x1] =	wrdreg $0xFFFFFFFF  }
0xc0: {  	_ =	task.clear_ibuf [dreg:s6], $0x2FFFF;
	_ =	strace $0x9FFFFFFF  }
0xc1: {  	(tm) =	ssettm $0x7FFFFFFF  }
tec
execute0_lowered:
.L_overlay_start_1:
0x0: {  	(tag) =	ssettag $0x1  }
0x1: {  	s0 =	srdreg.scid;
	s5 =	rddreg [dreg:$0x0]  }
0x2: {  	s1 =	stileid.u32;
	s6 =	simm.s32 $0x1;
	s9 =	simm.s32 $0x1  }
0x3: {  	s10 =	simm.s32 $0x3;
	s13 =	simm.s32 $0x0;
	s2 =	sshll.u32 s0, $0x9  }
0x4: {  	s12 =	simm.s32 $0x0;
	s3 =	sshll.u32 s1, $0xA;
	s2 =	sand.u32 $0x200, s2  }
0x5: {  	s0 =	rddreg [dreg:$0x1];
	_ =	strace $0x80000047;
	s2 =	sor.u32 s3, s2  }
0x6: {  	s4 =	sadd.s32 $0x82200, s5;
	[sflag:s6] =	ssyncpa.u1 $0x0;
	s8 =	ssub.s32 $0x8000, s2  }
.Ltmp0:
0x7: {  	s3 =	sadd.s32 $0x80200, s5;
	s7 =	sand.u32 $0x3E00, s8;
	(pc) =	sbr.rel .LBB2_1-.Ltmp0, $4  }
0x8: {  	s5 =	sadd.s32 $0x14B3A00, s5;
	s11 =	smov.u32 s2;
	p0 =	sne.s32 s7, $0x0  }
0x9: {  	s8 =	sshrl.u32 s8, $0xE;
	s7 =	simm.s32 $0x2;
	s9 =	simm.s32 @!p0 $0x0  }
0xa: {  	[sflag:s7] =	ssyncpa.u1 $0x0;
	p0 =	por $0x0, $0x0;
	s8 =	sadd.s32 s9, s8  }
0xb: {  	vm0 =	vmmov $0xffff;
	[sflag:s10] =	ssyncpa.u1 $0x0;
	s10 =	simm.s32 $0x0;
	s9 =	sadd.s32 $0x1, s8  }
.LBB2_4:
0xc: {  	v3 =	vshrl.u32 v0, $0x1;
	v2 =	vand.u32 $0x7, v2;
	v63 =	vshll.u32 v0, $0xE  }
0xd: {  	v3 =	vand.u32 $0x7FF, v3;
	v2 =	vsel vm1, $0xFFFFFFFF, v2;
	v0 =	vand.u32 $0x4000, v63  }
0xe: {  	v3 =	vsel vm1, $0xFFFFFFFF, v3;
	v0 =	vsel vm1, $0xFFFFC000, v0;
	v4 =	vand.u32 $0xFFFFC000, v2  }
0xf: {  	v5 =	vand.u32 $0x7F, v3;
	v0 =	vadd.s32 v0, v4;
	v3 =	vshll.u32 v3, $0x3  }
0x10: {  	v2 =	vshll.u32 v2, $0x7;
	v3 =	vand.u32 $0xFFFFFC00, v3;
	v0 =	vor.u32 v5, v0  }
0x11: {  	v2 =	vand.u32 $0x380, v2;
	v0 =	vadd.s32 v3, v0  }
0x12: {  	v0 =	vor.u32 v2, v0;
	_ =	sdelay $0x1  }
0x13: {  	(ifvalue) =	ssetifvalue $0x7FFFFFFF;
	s14 =	sadd.s32 $0x10, s14  }
0x14: {  	[tilespmem:s14], [sflag:$0x1] =	stream.indirect_vreg.gather [hbm4b:s3+s10], $0x1, v1, vm0, $0x4038;
	[tilespmem:$0x800] =	vst v63  }
0x15: {  	(ifvalue) =	ssetifvalue $0x7FFFFFFF;
	s14 =	sadd.s32 $0x10, s14  }
0x16: {  	[tilespmem:s14], [sflag:$0x1] =	stream.indirect_vreg.gather [hbm4b:s3+s10], $0x1, v0, vm0, $0x4038;
	[tilespmem:$0x800] =	vst v63  }
0x17: {  	_ =	swait.ge [sflag:s6], $0x200  }
0x18: {  	s30 =	sshrl.u32 s13, $0x3;
	[sflag:s6] =	ssyncset.done $0x0  }
0x19: {  	s31 =	sand.u32 $0x7, s13;
	s14 =	sadd.s32 s5, s30;
	[sflag:s6] =	ssyncadd.s32 $0xFFFFFE00  }
0x1a: {  	[hbm4b:s14+s31] =	stream.linear.scatter [tilespmem:s15], [sflag:$0x3], $0x200, $0x38;
	[tilespmem:$0x800] =	vst v63  }
.LBB2_5:
0x1b: {  	s15 =	sadd.s32 $0x4000, s11  }
0x1c: {  	p2 =	sgt.s32 s15, $0x7FFF  }
0x1d: {  	s15 =	smov.u32 @p2 s2;
	p2 =	sne.s32 s12, s9  }
.Ltmp1:
0x1e: {  	p1 =	slt.u32 s12, $0x2;
	(pc) =	sbr.rel @!p2 .LBB2_6-.Ltmp1, $4  }
0x1f: {  	s14 =	simm.s32 @!p1 $0x3  }
0x20: {  	s16 =	sadd.s32 $0x1, s12;
	_ =	swait.ge @!p1 [sflag:s14], $0x200  }
0x21: {  	s13 =	smov.u32 s11;
	p0 =	por !p0, !p0;
	[sflag:s14] =	ssyncset.done @!p1 $0x0  }
0x22: {  	s12 =	smov.u32 s16;
	s11 =	smov.u32 s15;
	[sflag:s14] =	ssyncadd.s32 @!p1 $0xFFFFFE00  }
.LBB2_1:
0x23: {  	p1 =	sge.u32 s12, s8  }
0x24: {  	s14 =	sxor.u32 @!p1 $0xFFFFFFFF, s12  }
0x25: {  	s31 =	sadd.s32 $0xFFFFFFFF, s12;
	s15 =	sshrl.u32 @!p1 s11, $0x3;
	s14 =	sshll.u32 @!p1 s14, $0x9  }
0x26: {  	s16 =	sand.u32 @!p1 $0x7, s11;
	s15 =	sadd.s32 @!p1 s4, s15;
	s14 =	sand.u32 @!p1 $0x200, s14  }
0x27: {  	[tilespmem:s14], [sflag:$0x2] =	stream.linear.gather @!p1 [hbm4b:s15+s16], $0x200, $0x38;
	[tilespmem:$0x800] =	vst v63  }
0x28: {  	p1 =	sge.u32 s31, s8  }
.Ltmp2:
0x29: {  	_ = 	snop;
	(pc) =	sbr.rel @p1 .LBB2_5-.Ltmp2, $1  }
0x2a: {  	_ =	sdelay $0x3  }
0x2b: {  	s14 =	simm.s32 $0x1  }
0x2c: {  	_ =	swait.ge [sflag:s7], $0x200;
	s14 =	simm.s32 @!p0 $0x0  }
0x2d: {  	[sflag:s7] =	ssyncset.done $0x0;
	s14 =	sshll.u32 s14, $0x9  }
0x2e: {  	[sflag:s7] =	ssyncadd.s32 $0xFFFFFE00;
	(ifvalue) =	ssetifvalue $0x7FFFFFFF;
	v0 =	vld.msk [tilespmem:s14+$0x0 ss:$0x1], $0xffff;
	_ =	sdelay $0x1  }
0x2f: {  	s15 =	sadd.s32 $0x10, s14  }
0x30: {  	v3 =	vld.msk [tilespmem:s15+$0x0 ss:$0x1], $0xffff;
	_ =	sdelay $0x1  }
0x31: {  	vm1 =	veq.s32 v0, $0x80000000  }
0x32: {  	v1 =	vshrl.u32 v0, $0xC;
	v2 =	vshrl.u32 v0, $0x1;
	v0 =	vshll.u32 v0, $0xE  }
0x33: {  	v1 =	vand.u32 $0x7, v1;
	v2 =	vand.u32 $0x7FF, v2;
	v0 =	vand.u32 $0x4000, v0  }
0x34: {  	v62 =	vshrl.u32 v3, $0x1;
	v1 =	vsel vm1, $0xFFFFFFFF, v1;
	v2 =	vsel vm1, $0xFFFFFFFF, v2  }
0x35: {  	v0 =	vsel vm1, $0xFFFFC000, v0;
	vm1 =	veq.s32 v3, $0x80000000;
	v4 =	vand.u32 $0xFFFFC000, v1  }
0x36: {  	v5 =	vand.u32 $0x7F, v2;
	v2 =	vshll.u32 v2, $0x3;
	v0 =	vadd.s32 v0, v4  }
0x37: {  	v1 =	vshll.u32 v1, $0x7;
	v2 =	vand.u32 $0xFFFFFC00, v2;
	v0 =	vor.u32 v5, v0  }
0x38: {  	v1 =	vand.u32 $0x380, v1;
	v0 =	vadd.s32 v2, v0;
	v2 =	vshrl.u32 v3, $0xC  }
0x39: {  	s17 =	sadd.s32 $0x10, s15;
	v3 =	vshll.u32 v3, $0xE;
	v1 =	vor.u32 v1, v0;
	v2 =	vand.u32 $0x7, v2  }
0x3a: {  	v4 =	vand.u32 $0x7FF, v62;
	v0 =	vld.msk [tilespmem:s17+$0x0 ss:$0x1], $0xffff;
	v3 =	vand.u32 $0x4000, v3;
	v2 =	vsel vm1, $0xFFFFFFFF, v2  }
0x3b: {  	v4 =	vsel vm1, $0xFFFFFFFF, v4;
	v3 =	vsel vm1, $0xFFFFC000, v3;
	v63 =	vand.u32 $0xFFFFC000, v2  }
0x3c: {  	s31 =	sshll.u32 s12, $0x9;
	v6 =	vand.u32 $0x7F, v4;
	v4 =	vshll.u32 v4, $0x3;
	v3 =	vadd.s32 v3, v63  }
0x3d: {  	s14 =	sor.u32 $0x400, s14;
	s15 =	sand.u32 $0x200, s31;
	(ifvalue) =	ssetifvalue $0x7FFFFFFF;
	v4 =	vand.u32 $0xFFFFFC00, v4;
	v2 =	vshll.u32 v2, $0x7;
	v3 =	vor.u32 v6, v3  }
0x3e: {  	[tilespmem:s14], [sflag:$0x1] =	stream.indirect_vreg.gather [hbm4b:s3+s10], $0x1, v1, vm0, $0x4038;
	v1 =	vand.u32 $0x380, v2;
	v3 =	vadd.s32 v4, v3;
	[tilespmem:$0x800] =	vst v63  }
0x3f: {  	s16 =	simm.s32 $0x20;
	s15 =	sor.u32 $0x400, s15;
	s17 =	sadd.s32 $0x10, s17;
	vm1 =	veq.s32 v0, $0x80000000;
	v2 =	vshrl.u32 v0, $0xC;
	v1 =	vor.u32 v1, v3  }
.LBB2_3:
0x40: {  	s16 =	sadd.s32 $0x10, s16;
	v3 =	vshrl.u32 v0, $0x1;
	v2 =	vand.u32 $0x7, v2;
	v4 =	vshll.u32 v0, $0xE;
	v0 =	vld.msk [tilespmem:s17+$0x0 ss:$0x1], $0xffff  }
0x41: {  	p1 =	slt.u32 s16, $0x1F0;
	v3 =	vand.u32 $0x7FF, v3;
	v2 =	vsel vm1, $0xFFFFFFFF, v2;
	v4 =	vand.u32 $0x4000, v4  }
.Ltmp3:
0x42: {  	v3 =	vsel vm1, $0xFFFFFFFF, v3;
	v4 =	vsel vm1, $0xFFFFC000, v4;
	v5 =	vand.u32 $0xFFFFC000, v2;
	(pc) =	sbr.rel @p1 .LBB2_3-.Ltmp3, $4  }
0x43: {  	s14 =	sadd.s32 $0x10, s14;
	v6 =	vand.u32 $0x7F, v3;
	v4 =	vadd.s32 v4, v5;
	v3 =	vshll.u32 v3, $0x3;
	(ifvalue) =	ssetifvalue $0x7FFFFFFF  }
0x44: {  	v2 =	vshll.u32 v2, $0x7;
	v3 =	vand.u32 $0xFFFFFC00, v3;
	v4 =	vor.u32 v6, v4;
	[tilespmem:s14], [sflag:$0x1] =	stream.indirect_vreg.gather [hbm4b:s3+s10], $0x1, v1, vm0, $0x4038;
	[tilespmem:$0x800] =	vst v63  }
0x45: {  	v1 =	vand.u32 $0x380, v2;
	v3 =	vadd.s32 v3, v4  }
0x46: {  	s17 =	sadd.s32 $0x10, s17;
	vm1 =	veq.s32 v0, $0x80000000;
	v2 =	vshrl.u32 v0, $0xC;
	v1 =	vor.u32 v1, v3  }
.Ltmp4:
0x47: {  	_ = 	snop;
	(pc) =	sbr.rel .LBB2_4-.Ltmp4, $1  }
0x48: {  	_ =	sdelay $0x3  }
.LBB2_6:
0x49: {  	_ =	sfence.sel $0x180000  }
0x4a: {  	s2 =	simm.s32 $0x2;
	[bflag:$0x0] =	sbarrier.arrive $0xFFFF  }
0x4b: {  	s30 =	simm.s32 $0x3;
	[sflag:s2] =	ssyncpa.u1 $0x1  }
0x4c: {  	s31 =	simm.s32 $0x1;
	[sflag:s30] =	ssyncpa.u1 $0x1  }
0x4d: {  	[sflag:s31] =	ssyncpa.u1 $0x1  }
0x4e: {  	p0 =	sne.s32 s1, $0x0;
	_ =	strace $0x90000047  }
0x4f: {  	s0 =	sadd.s32 @!p0 $0x100000, s0;
	[bflag:$0x2] =	sbarrier.arrive $0xFFFF  }
0x50: {  	[sflag:s0] =	ssyncadd.tile.s32 @!p0 $0x1;
	_ =	shalt  }
.Lfunc_end2:
_tile_overlayer_lowered:
.L_overlay_start_2:
0x51: {  	(tag) =	ssettag $0x2  }
0x52: {  	s0 =	rddreg [dreg:$0x0];
	s2 =	stileid.u32  }
0x53: {  	s1 =	rddreg [dreg:$0x1];
	p0 =	sne.s32 s2, $0x0  }
0x54: {  	s3 =	rddreg [dreg:$0x2];
	[bflag:$0x3] =	sbarrier.arrive $0xFFFF;
	s2 =	simm.s32 @!p0 $0x1C01  }
0x55: {  	[timem:s3], [sflag:s2] =	dma.local @!p0 [hbm:s0], s1  }
0x56: {  	s0 =	simm.s32 @!p0 $0x1  }
0x57: {  	_ =	swait.ge @!p0 [sflag:s0], s1  }
0x58: {  	s1 =	ssub.s32 @!p0 $0x0, s1;
	[sflag:s0] =	ssyncset.done @!p0 $0x0  }
0x59: {  	[sflag:s0] =	ssyncadd.s32 @!p0 s1  }
0x5a: {  	[bflag:$0x3] =	sbarrier.arrive $0xFFFF  }
0x5b: {  	_ =	shalt  }

// kernel: sparse-core-data-format-call.cloned.1.call-start
scs
called_computation_lowered:
.L_overlay_start_0:
0x0: {  	s2 =	sld [smem:$0x3FD9]  }
0x1: {  	s3 =	sld [smem:$0x3FFE];
	_ =	sdelay $0x1  }
0x2: {  	s1 =	srdreg.scid  }
0x3: {  	s0 =	sand.u32 $0x1, s1  }
0x4: {  	s18 =	sshll.u32 s0, $0xA;
	s2 =	sadd.s32 s3, s2  }
0x5: {  	s2 =	sadd.s32 s2, s18  }
0x6: {  	[smem:$0x3F9E] =	sst s2  }
0x7: {  	_ = 	snop  }
0x8: {  	s2 =	sld [smem:$0x3FD0];
	(tm) =	ssettm $0x1  }
0x9: {  	s19 =	sld [smem:$0x3FFB];
	_ =	sdelay $0x3  }
0xa: {  	_ =	strace s19  }
0xb: {  	s3 =	sld [smem:$0x3FFC];
	_ =	sdelay $0x3  }
0xc: {  	_ =	strace s3  }
0xd: {  	s3 =	sld [smem:$0x3FFD];
	_ =	sdelay $0x3  }
0xe: {  	_ =	strace s3  }
0xf: {  	_ =	strace $0x8FFFFFFF  }
0x10: {  	s20 =	sld [smem:$0x3FDB];
	_ =	sdelay $0x1  }
0x11: {  	s4 =	simm.s32 $_scs_section_size  }
0x12: {  	s5 =	simm.s32 $_size__tile_overlayer_lowered;
	s6 =	simm.s32 $_tile_overlayer_lowered  }
0x13: {  	s23 =	simm.s32 $0x1BFF;
	s22 =	sshll.u32 s6, $0x1;
	s3 =	sadd.s32 s4, s20  }
0x14: {  	s7 =	simm.s32 $0x0;
	s21 =	sshll.u32 s5, $0x1;
	s5 =	sadd.s32 s22, s3  }
0x15: {  	[timem:s7], [sflag:s23] =	dma.local [hbm:s5], s21  }
0x16: {  	_ =	swait.ge [sflag:s23], s21  }
0x17: {  	s4 =	ssub.s32 $0x0, s21;
	[sflag:s23] =	ssyncset.done $0x0  }
0x18: {  	[sflag:s23] =	ssyncadd.s32 s4;
	_ =	sdelay $0x1  }
0x19: {  	s24 =	simm.s32 $0x1B8B  }
0x1a: {  	_ =	swait.ge [sflag:s24], $0x1  }
0x1b: {  	[sflag:s24] =	ssyncset.done $0x0  }
0x1c: {  	s26 =	simm.s32 $0x1B8E;
	s25 =	sld [smem:$0x3FFE];
	[sflag:s24] =	ssyncadd.s32 $0xFFFFFFFF  }
0x1d: {  	s27 =	simm.s32 $execute0_lowered;
	[smem:$0x3FD2] =	sst s26  }
0x1e: {  	s5 =	sshll.u32 s27, $0x1;
	_ =	strace $0x80000052;
	[dreg:$0x1] =	wrdreg $0xFFFFFFFF  }
0x1f: {  	s28 =	simm.s32 $_size_execute0_lowered;
	s3 =	sadd.s32 s3, s5;
	[dreg:$0x0] =	wrdreg $0x0  }
0x20: {  	s5 =	sshll.u32 s28, $0x1;
	[dreg:$0x2] =	wrdreg s3  }
0x21: {  	[dreg:$0x3] =	wrdreg s5  }
0x22: {  	[dreg:$0x4] =	wrdreg $0xC0  }
0x23: {  	_ =	task [dreg:s7], $0x5FFFF  }
0x24: {  	[dreg:$0x1] =	wrdreg $0xFFFFFFFF  }
0x25: {  	[dreg:$0x0] =	wrdreg $0x60  }
0x26: {  	[dreg:$0x2] =	wrdreg s25  }
0x27: {  	[dreg:$0x3] =	wrdreg s2  }
0x28: {  	[dreg:$0x4] =	wrdreg $0x9  }
0x29: {  	_ =	task.clear_ibuf [dreg:s7], $0x5FFFF;
	_ =	strace $0x90000052  }
0x2a: {  	s29 =	simm.s32 $0x9;
	_ =	strace $0x80000054  }
0x2b: {  	_ =	swait.ge [sflag:s29], $0x1  }
0x2c: {  	[sflag:s29] =	ssyncadd.s32 $0xFFFFFFFF  }
0x2d: {  	_ =	strace $0x90000054  }
0x2e: {  	_ =	sfence  }
0x2f: {  	s30 =	sld [smem:$0x0];
	_ =	sdelay $0x2  }
0x30: {  	s31 =	sshll.u32 s1, $0xD;
	s1 =	sshrl.u32 s1, $0x2  }
0x31: {  	s3 =	sand.u32 $0x4000, s31;
	s1 =	sadd.s32 s1, s30  }
0x32: {  	s0 =	sor.u32 s3, s0;
	s1 =	sshll.u32 s1, $0x11  }
0x33: {  	s0 =	sor.u32 s1, s0  }
0x34: {  	s0 =	sadd.s32 $0x8F2B, s0  }
0x35: {  	[sflag:s0] =	ssyncadd.remote.s32 $0x1  }
0x36: {  	_ =	sfence.sel $0xFFFF  }
0x37: {  	[dreg:$0x0] =	wrdreg $0xFFFFFFFF;
	(pc) =	sbr.abs _section_cstart, $3  }
0x38: {  	[dreg:$0x1] =	wrdreg $0xFFFFFFFF  }
0x39: {  	_ =	task.clear_ibuf [dreg:s7], $0x2FFFF;
	_ =	strace $0x9FFFFFFF  }
0x3a: {  	(tm) =	ssettm $0x7FFFFFFF  }
0x3b: {  	_ =	shalt  }
tec
execute0_lowered:
.L_overlay_start_1:
0x0: {  	(tag) =	ssettag $0x1  }
0x1: {  	s0 =	stileid.u32;
	s3 =	rddreg [dreg:$0x0]  }
0x2: {  	s1 =	srdreg.scid;
	s5 =	rddreg [dreg:$0x1];
	s31 =	simm.s32 $0x2  }
0x3: {  	s16 =	simm.s32 $0x0;
	s9 =	simm.s32 $0x200000;
	s10 =	simm.s32 $0x0  }
0x4: {  	s17 =	simm.s32 $0x0;
	s2 =	sshll.u32 s0, $0x2;
	s1 =	sshll.u32 s1, $0x6  }
0x5: {  	s19 =	simm.s32 $0x0;
	s2 =	sor.u32 s2, s1;
	s1 =	sand.u32 $0x1, s0  }
0x6: {  	s18 =	simm.s32 $0x0;
	s2 =	sand.u32 $0x78, s2;
	s4 =	ssub.s32 $0x2, s1  }
0x7: {  	s11 =	simm.s32 $0x0;
	s6 =	ssub.s32 $0x800, s2;
	s8 =	sshll.u32 s4, $0x1  }
0x8: {  	s12 =	simm.s32 $0x0;
	s7 =	sand.u32 $0x78, s6;
	s8 =	sand.u32 $0x2, s8  }
0x9: {  	s6 =	sshrl.u32 s6, $0x7;
	p0 =	sne.s32 s7, $0x0;
	s7 =	simm.s32 $0x1  }
.Ltmp0:
0xa: {  	s8 =	sadd.s32 s8, s4;
	s7 =	simm.s32 @!p0 $0x0;
	(pc) =	sbr.rel .LBB1_1-.Ltmp0, $4  }
0xb: {  	s4 =	rddreg [dreg:$0x2];
	s8 =	sand.u32 $0x6, s8;
	s7 =	sadd.s32 s7, s6  }
0xc: {  	_ =	strace $0x80000053;
	s6 =	simm.s32 $0x1;
	s7 =	smul.u32 s7, s8  }
0xd: {  	s15 =	simm.s32 $0x0;
	s14 =	smov.u32 s1;
	[sflag:s6] =	ssyncpa.u1 $0x0  }
0xe: {  	s13 =	smov.u32 s2;
	[sflag:s31] =	ssyncpa.u1 $0x0;
	s8 =	sor.u32 $0x1, s7  }
.LBB1_7:
0xf: {  	s20 =	sadd.s32 $0x200, s11  }
0x10: {  	s16 =	sadd.s32 $0x4, s12;
	s21 =	smov.u32 s12;
	p1 =	sgt.s32 s20, $0x3FF  }
0x11: {  	s21 =	smov.u32 @p1 s16  }
0x12: {  	s22 =	smov.u32 s13;
	s16 =	sadd.s32 $0x80, s13;
	p2 =	sgt.s32 s21, $0x3  }
0x13: {  	s22 =	smov.u32 @p2 s16  }
0x14: {  	s23 =	smov.u32 s14;
	s16 =	sadd.s32 $0x2, s14;
	p3 =	sgt.s32 s22, $0x7FF  }
0x15: {  	p0 =	slt.u32 s15, $0x2;
	s23 =	smov.u32 @p3 s16  }
0x16: {  	s17 =	smov.u32 s12;
	s20 =	simm.s32 @p1 $0x0;
	p1 =	sgt.s32 s23, $0x1  }
0x17: {  	s24 =	simm.s32 @!p0 $0x2;
	s23 =	smov.u32 @p1 s1;
	p1 =	sne.s32 s15, s8  }
.Ltmp1:
0x18: {  	s19 =	smov.u32 s13;
	_ =	swait.ge @!p0 [sflag:s24], $0x4000;
	(pc) =	sbr.rel @!p1 .LBB1_8-.Ltmp1, $4  }
0x19: {  	s18 =	smov.u32 s14;
	[sflag:s24] =	ssyncset.done @!p0 $0x0;
	s21 =	simm.s32 @p2 $0x0  }
0x1a: {  	s10 =	sadd.s32 $0x4000, s10;
	[sflag:s24] =	ssyncadd.s32 @!p0 $0xFFFFC000;
	s12 =	smov.u32 s21  }
0x1b: {  	s22 =	smov.u32 @p3 s2;
	s16 =	smov.u32 s11;
	s11 =	smov.u32 s20  }
0x1c: {  	s13 =	smov.u32 s22;
	s15 =	sadd.s32 $0x1, s15;
	s14 =	smov.u32 s23  }
.LBB1_1:
0x1d: {  	p0 =	sge.u32 s15, s7  }
0x1e: {  	s31 =	sadd.s32 $0xFFFFFFFF, s15;
	s20 =	sxor.u32 @!p0 $0xFFFFFFFF, s15;
	s21 =	sshll.u32 @!p0 s12, $0x7  }
0x1f: {  	s22 =	sand.u32 @!p0 $0x78, s11;
	s23 =	sshll.u32 @!p0 s11, $0x2;
	s24 =	sshrl.u32 @!p0 s11, $0x1  }
0x20: {  	s21 =	sand.u32 @!p0 $0x180, s21;
	s20 =	sshll.u32 @!p0 s20, $0xE;
	s23 =	sand.u32 @!p0 $0x200, s23  }
0x21: {  	s24 =	sand.u32 @!p0 $0x180, s24;
	s21 =	sor.u32 @!p0 s21, s22;
	s22 =	sshll.u32 @!p0 s14, $0x14  }
0x22: {  	s21 =	sor.u32 @!p0 s23, s21;
	s23 =	sshll.u32 @!p0 s13, $0x9;
	s22 =	sadd.s32 @!p0 s3, s22  }
0x23: {  	s20 =	sand.u32 @!p0 $0x4000, s20;
	s22 =	sadd.s32 @!p0 s23, s22;
	s23 =	sand.u32 @!p0 $0x7, s11  }
0x24: {  	s21 =	sshrl.u32 @!p0 s21, $0x3;
	s22 =	sadd.s32 @!p0 s24, s22;
	s23 =	sshll.u32 @!p0 s23, $0x12  }
0x25: {  	s21 =	sadd.s32 @!p0 s21, s22;
	s22 =	sor.u32 @!p0 $0x800, s23;
	s23 =	simm.s32 @!p0 $0x1000  }
0x26: {  	[tilespmem:s20], [sflag:$0x1] =	stream.strided.gather @!p0 [hbm4b:s21+s22], $0x4000, s23, s22, $0x38;
	[tilespmem:$0x10000] =	vst v63  }
0x27: {  	p0 =	sge.u32 s31, s7  }
.Ltmp2:
0x28: {  	_ = 	snop;
	(pc) =	sbr.rel @p0 .LBB1_7-.Ltmp2, $1  }
0x29: {  	_ =	sdelay $0x3  }
0x2a: {  	s20 =	sshll.u32 s10, $0x2;
	_ =	swait.ge [sflag:s6], $0x4000;
	s31 =	sshll.u32 s15, $0xE  }
0x2b: {  	s24 =	simm.s32 $0x0;
	s25 =	simm.s32 $0x0;
	s20 =	sand.u32 $0x10000, s20  }
0x2c: {  	s26 =	simm.s32 $0x0;
	[sflag:s6] =	ssyncset.done $0x0;
	s23 =	sshrl.u32 s20, $0x2  }
0x2d: {  	s20 =	sand.u32 $0x4000, s31;
	[sflag:s6] =	ssyncadd.s32 $0xFFFFC000;
	s21 =	sor.u32 $0x400, s23  }
0x2e: {  	s22 =	sor.u32 $0x8000, s23;
	s20 =	sor.u32 $0x8000, s20;
	s23 =	sadd.s32 $0x8C00, s23  }
.LBB1_3:
0x2f: {  	v0 =	vmov s22;
	v1 =	vld [tilespmem:s21+$0x270]  }
0x30: {  	v2 =	vld [tilespmem:s21+$0xFFFFFC10]  }
0x31: {  	v3 =	vld [tilespmem:s21+$0xFFFFFC20]  }
0x32: {  	s27 =	sshll.u32 s25, $0x2;
	s28 =	sand.u32 $0x3, s24;
	v4 =	vld [tilespmem:s21+$0xFFFFFC30]  }
0x33: {  	v5 =	vld [tilespmem:s21+$0xFFFFFC40];
	s29 =	sand.u32 $0xFFFFF800, s27;
	s28 =	sshll.u32 s28, $0x9;
	s27 =	simm.s32 $0x0  }
0x34: {  	v6 =	vld [tilespmem:s21+$0xFFFFFC50];
	s28 =	sor.u32 s28, s29;
	[tilespmem:v0+s27+$0xC70 ss:$0x1] =	vst.idx.msk $0xffff, v1  }
0x35: {  	v7 =	vld [tilespmem:s21+$0x220];
	s28 =	sshrl.u32 s28, $0x2;
	[tilespmem:v0+s27+$0x10 ss:$0x1] =	vst.idx.msk $0xffff, v2  }
0x36: {  	v8 =	vld [tilespmem:s21+$0x230];
	s28 =	sadd.s32 s28, s23;
	[tilespmem:v0+s27+$0x20 ss:$0x1] =	vst.idx.msk $0xffff, v3  }
0x37: {  	v1 =	vmov s28;
	[tilespmem:v0+s27+$0x30 ss:$0x1] =	vst.idx.msk $0xffff, v4;
	v4 =	vld [tilespmem:s21+$0xFFFFFE00]  }
0x38: {  	[tilespmem:v0+s27+$0x40 ss:$0x1] =	vst.idx.msk $0xffff, v5;
	v5 =	vld [tilespmem:s21+$0xFFFFFE10]  }
0x39: {  	[tilespmem:v0+s27+$0x50 ss:$0x1] =	vst.idx.msk $0xffff, v6;
	v6 =	vld [tilespmem:s21+$0xFFFFFE20]  }
0x3a: {  	v2 =	vld [tilespmem:s21+$0xFFFFFC60];
	[tilespmem:v0+s27+$0xC20 ss:$0x1] =	vst.idx.msk $0xffff, v7  }
0x3b: {  	v3 =	vld [tilespmem:s21+$0xFFFFFC70];
	[tilespmem:v0+s27+$0xC30 ss:$0x1] =	vst.idx.msk $0xffff, v8  }
0x3c: {  	[tilespmem:v1+s27+$0xFFFFF800 ss:$0x1] =	vst.idx.msk $0xffff, v4;
	v4 =	vld [tilespmem:s21+$0xFFFFFE50]  }
0x3d: {  	[tilespmem:v0+s27+$0x410 ss:$0x1] =	vst.idx.msk $0xffff, v5;
	v5 =	vld [tilespmem:s21+$0xFFFFFE60]  }
0x3e: {  	[tilespmem:v0+s27+$0x420 ss:$0x1] =	vst.idx.msk $0xffff, v6;
	v6 =	vld [tilespmem:s21+$0xFFFFFE70]  }
0x3f: {  	[tilespmem:v0+s27+$0x60 ss:$0x1] =	vst.idx.msk $0xffff, v2;
	v2 =	vld [tilespmem:s21+$0xFFFFFE30]  }
0x40: {  	[tilespmem:v0+s27+$0x70 ss:$0x1] =	vst.idx.msk $0xffff, v3;
	v3 =	vld [tilespmem:s21+$0xFFFFFE40]  }
0x41: {  	[tilespmem:v0+s27+$0x450 ss:$0x1] =	vst.idx.msk $0xffff, v4;
	v4 =	vld [tilespmem:s21+$0x20]  }
0x42: {  	[tilespmem:v0+s27+$0x460 ss:$0x1] =	vst.idx.msk $0xffff, v5;
	v5 =	vld [tilespmem:s21+$0x30]  }
0x43: {  	[tilespmem:v0+s27+$0x470 ss:$0x1] =	vst.idx.msk $0xffff, v6;
	v6 =	vld [tilespmem:s21+$0x40]  }
0x44: {  	[tilespmem:v0+s27+$0x430 ss:$0x1] =	vst.idx.msk $0xffff, v2;
	v2 =	vld [tilespmem:s21+$0x0]  }
0x45: {  	[tilespmem:v0+s27+$0x440 ss:$0x1] =	vst.idx.msk $0xffff, v3;
	v3 =	vld [tilespmem:s21+$0x10]  }
0x46: {  	[tilespmem:v0+s27+$0x820 ss:$0x1] =	vst.idx.msk $0xffff, v4;
	v4 =	vld [tilespmem:s21+$0x70]  }
0x47: {  	[tilespmem:v0+s27+$0x830 ss:$0x1] =	vst.idx.msk $0xffff, v5;
	v5 =	vld [tilespmem:s21+$0x200]  }
0x48: {  	[tilespmem:v0+s27+$0x840 ss:$0x1] =	vst.idx.msk $0xffff, v6;
	v6 =	vld [tilespmem:s21+$0x210]  }
0x49: {  	[tilespmem:v1+s27+$0xFFFFFC00 ss:$0x1] =	vst.idx.msk $0xffff, v2;
	v2 =	vld [tilespmem:s21+$0x50]  }
0x4a: {  	[tilespmem:v0+s27+$0x810 ss:$0x1] =	vst.idx.msk $0xffff, v3;
	v3 =	vld [tilespmem:s21+$0x60]  }
0x4b: {  	[tilespmem:v0+s27+$0x870 ss:$0x1] =	vst.idx.msk $0xffff, v4;
	v4 =	vld [tilespmem:s21+$0x240]  }
0x4c: {  	[tilespmem:v1+s27+$0x0 ss:$0x1] =	vst.idx.msk $0xffff, v5;
	v5 =	vld [tilespmem:s21+$0x250]  }
0x4d: {  	[tilespmem:v0+s27+$0xC10 ss:$0x1] =	vst.idx.msk $0xffff, v6;
	v6 =	vld [tilespmem:s21+$0x260]  }
0x4e: {  	s28 =	sadd.s32 $0x80, s21;
	[tilespmem:v0+s27+$0x850 ss:$0x1] =	vst.idx.msk $0xffff, v2;
	v2 =	vld [tilespmem:s21+$0xFFFFFC00]  }
0x4f: {  	s30 =	simm.s32 $0x8000;
	s29 =	simm.s32 $0x4000;
	[tilespmem:v0+s27+$0x860 ss:$0x1] =	vst.idx.msk $0xffff, v3;
	v3 =	vld [tilespmem:s28+$0x270]  }
.LBB1_4:
0x50: {  	p0 =	sne.s32 s30, $0xC000;
	v7 =	vld [tilespmem:s28+$0xFFFFFC10];
	[tilespmem:v0+s27+$0xC40 ss:$0x1] =	vst.idx.msk $0xffff, v4  }
0x51: {  	v4 =	vld [tilespmem:s28+$0xFFFFFC20];
	[tilespmem:v0+s27+$0xC50 ss:$0x1] =	vst.idx.msk $0xffff, v5  }
0x52: {  	v5 =	vld [tilespmem:s28+$0xFFFFFC30];
	[tilespmem:v0+s27+$0xC60 ss:$0x1] =	vst.idx.msk $0xffff, v6  }
0x53: {  	v6 =	vld [tilespmem:s28+$0xFFFFFC40];
	[tilespmem:v0+s27+$0x0 ss:$0x1] =	vst.idx.msk $0xffff, v2;
	s27 =	sshra.s32 s29, $0x2;
	s29 =	smov.u32 s30  }
0x54: {  	v2 =	vld [tilespmem:s28+$0xFFFFFC50];
	[tilespmem:v0+s27+$0xC70 ss:$0x1] =	vst.idx.msk $0xffff, v3  }
0x55: {  	[tilespmem:v0+s27+$0x10 ss:$0x1] =	vst.idx.msk $0xffff, v7;
	v3 =	vld [tilespmem:s28+$0xFFFFFC60]  }
0x56: {  	[tilespmem:v0+s27+$0x20 ss:$0x1] =	vst.idx.msk $0xffff, v4;
	v4 =	vld [tilespmem:s28+$0xFFFFFC70]  }
0x57: {  	[tilespmem:v0+s27+$0x30 ss:$0x1] =	vst.idx.msk $0xffff, v5;
	v5 =	vld [tilespmem:s28+$0xFFFFFE00]  }
0x58: {  	[tilespmem:v0+s27+$0x40 ss:$0x1] =	vst.idx.msk $0xffff, v6;
	v6 =	vld [tilespmem:s28+$0xFFFFFE10]  }
0x59: {  	[tilespmem:v0+s27+$0x50 ss:$0x1] =	vst.idx.msk $0xffff, v2;
	v2 =	vld [tilespmem:s28+$0xFFFFFE20]  }
0x5a: {  	[tilespmem:v0+s27+$0x60 ss:$0x1] =	vst.idx.msk $0xffff, v3;
	v3 =	vld [tilespmem:s28+$0xFFFFFE30]  }
0x5b: {  	[tilespmem:v0+s27+$0x70 ss:$0x1] =	vst.idx.msk $0xffff, v4;
	v4 =	vld [tilespmem:s28+$0xFFFFFE40]  }
0x5c: {  	[tilespmem:v1+s27+$0xFFFFF800 ss:$0x1] =	vst.idx.msk $0xffff, v5;
	v5 =	vld [tilespmem:s28+$0xFFFFFE50]  }
0x5d: {  	[tilespmem:v0+s27+$0x410 ss:$0x1] =	vst.idx.msk $0xffff, v6;
	v6 =	vld [tilespmem:s28+$0xFFFFFE60]  }
0x5e: {  	[tilespmem:v0+s27+$0x420 ss:$0x1] =	vst.idx.msk $0xffff, v2;
	v2 =	vld [tilespmem:s28+$0xFFFFFE70]  }
0x5f: {  	[tilespmem:v0+s27+$0x430 ss:$0x1] =	vst.idx.msk $0xffff, v3;
	v3 =	vld [tilespmem:s28+$0x0]  }
0x60: {  	[tilespmem:v0+s27+$0x440 ss:$0x1] =	vst.idx.msk $0xffff, v4;
	v4 =	vld [tilespmem:s28+$0x10]  }
0x61: {  	[tilespmem:v0+s27+$0x450 ss:$0x1] =	vst.idx.msk $0xffff, v5;
	v5 =	vld [tilespmem:s28+$0x20]  }
0x62: {  	[tilespmem:v0+s27+$0x460 ss:$0x1] =	vst.idx.msk $0xffff, v6;
	v6 =	vld [tilespmem:s28+$0x30]  }
0x63: {  	[tilespmem:v0+s27+$0x470 ss:$0x1] =	vst.idx.msk $0xffff, v2;
	v2 =	vld [tilespmem:s28+$0x40]  }
0x64: {  	[tilespmem:v1+s27+$0xFFFFFC00 ss:$0x1] =	vst.idx.msk $0xffff, v3;
	v3 =	vld [tilespmem:s28+$0x50]  }
0x65: {  	[tilespmem:v0+s27+$0x810 ss:$0x1] =	vst.idx.msk $0xffff, v4;
	v4 =	vld [tilespmem:s28+$0x60]  }
0x66: {  	[tilespmem:v0+s27+$0x820 ss:$0x1] =	vst.idx.msk $0xffff, v5;
	v5 =	vld [tilespmem:s28+$0x70]  }
0x67: {  	[tilespmem:v0+s27+$0x830 ss:$0x1] =	vst.idx.msk $0xffff, v6;
	v6 =	vld [tilespmem:s28+$0x200]  }
0x68: {  	[tilespmem:v0+s27+$0x840 ss:$0x1] =	vst.idx.msk $0xffff, v2;
	v2 =	vld [tilespmem:s28+$0x210]  }
0x69: {  	[tilespmem:v0+s27+$0x850 ss:$0x1] =	vst.idx.msk $0xffff, v3;
	v3 =	vld [tilespmem:s28+$0x220]  }
0x6a: {  	[tilespmem:v0+s27+$0x860 ss:$0x1] =	vst.idx.msk $0xffff, v4;
	v7 =	vld [tilespmem:s28+$0x230]  }
.Ltmp3:
0x6b: {  	[tilespmem:v0+s27+$0x870 ss:$0x1] =	vst.idx.msk $0xffff, v5;
	v4 =	vld [tilespmem:s28+$0x240];
	(pc) =	sbr.rel @p0 .LBB1_4-.Ltmp3, $4  }
0x6c: {  	[tilespmem:v1+s27+$0x0 ss:$0x1] =	vst.idx.msk $0xffff, v6;
	v5 =	vld [tilespmem:s28+$0x250]  }
0x6d: {  	[tilespmem:v0+s27+$0xC10 ss:$0x1] =	vst.idx.msk $0xffff, v2;
	v6 =	vld [tilespmem:s28+$0x260]  }
0x6e: {  	v2 =	vld [tilespmem:s28+$0xFFFFFC00];
	[tilespmem:v0+s27+$0xC20 ss:$0x1] =	vst.idx.msk $0xffff, v3;
	s28 =	sadd.s32 $0x80, s28  }
0x6f: {  	s30 =	sadd.s32 $0x4000, s30;
	v3 =	vld [tilespmem:s28+$0x270];
	[tilespmem:v0+s27+$0xC30 ss:$0x1] =	vst.idx.msk $0xffff, v7  }
0x70: {  	_ =	sdelay $0x3  }
0x71: {  	v7 =	vld [tilespmem:s28+$0xFFFFFC10];
	[tilespmem:v0+s27+$0xC40 ss:$0x1] =	vst.idx.msk $0xffff, v4  }
0x72: {  	v34 =	vld [tilespmem:s28+$0xFFFFFC20];
	[tilespmem:v0+s27+$0xC50 ss:$0x1] =	vst.idx.msk $0xffff, v5  }
0x73: {  	v35 =	vld [tilespmem:s28+$0xFFFFFC30];
	[tilespmem:v0+s27+$0xC60 ss:$0x1] =	vst.idx.msk $0xffff, v6  }
0x74: {  	s29 =	sshra.s32 s29, $0x2;
	v36 =	vld [tilespmem:s28+$0xFFFFFC40];
	[tilespmem:v0+s27+$0x0 ss:$0x1] =	vst.idx.msk $0xffff, v2  }
0x75: {  	v37 =	vld [tilespmem:s28+$0xFFFFFC50];
	[tilespmem:v0+s29+$0xC70 ss:$0x1] =	vst.idx.msk $0xffff, v3  }
0x76: {  	v38 =	vld [tilespmem:s28+$0xFFFFFC60];
	[tilespmem:v0+s29+$0x10 ss:$0x1] =	vst.idx.msk $0xffff, v7  }
0x77: {  	v39 =	vld [tilespmem:s28+$0xFFFFFC70];
	[tilespmem:v0+s29+$0x20 ss:$0x1] =	vst.idx.msk $0xffff, v34  }
0x78: {  	v40 =	vld [tilespmem:s28+$0xFFFFFE00];
	[tilespmem:v0+s29+$0x30 ss:$0x1] =	vst.idx.msk $0xffff, v35  }
0x79: {  	v41 =	vld [tilespmem:s28+$0xFFFFFE10];
	[tilespmem:v0+s29+$0x40 ss:$0x1] =	vst.idx.msk $0xffff, v36  }
0x7a: {  	v42 =	vld [tilespmem:s28+$0xFFFFFE20];
	[tilespmem:v0+s29+$0x50 ss:$0x1] =	vst.idx.msk $0xffff, v37  }
0x7b: {  	v43 =	vld [tilespmem:s28+$0xFFFFFE30];
	[tilespmem:v0+s29+$0x60 ss:$0x1] =	vst.idx.msk $0xffff, v38  }
0x7c: {  	v44 =	vld [tilespmem:s28+$0xFFFFFE40];
	[tilespmem:v0+s29+$0x70 ss:$0x1] =	vst.idx.msk $0xffff, v39  }
0x7d: {  	v45 =	vld [tilespmem:s28+$0xFFFFFE50];
	[tilespmem:v1+s29+$0xFFFFF800 ss:$0x1] =	vst.idx.msk $0xffff, v40  }
0x7e: {  	v46 =	vld [tilespmem:s28+$0xFFFFFE60];
	[tilespmem:v0+s29+$0x410 ss:$0x1] =	vst.idx.msk $0xffff, v41  }
0x7f: {  	v47 =	vld [tilespmem:s28+$0xFFFFFE70];
	[tilespmem:v0+s29+$0x420 ss:$0x1] =	vst.idx.msk $0xffff, v42  }
0x80: {  	v48 =	vld [tilespmem:s28+$0x0];
	[tilespmem:v0+s29+$0x430 ss:$0x1] =	vst.idx.msk $0xffff, v43  }
0x81: {  	v49 =	vld [tilespmem:s28+$0x10];
	[tilespmem:v0+s29+$0x440 ss:$0x1] =	vst.idx.msk $0xffff, v44  }
0x82: {  	v50 =	vld [tilespmem:s28+$0x20];
	[tilespmem:v0+s29+$0x450 ss:$0x1] =	vst.idx.msk $0xffff, v45  }
0x83: {  	v51 =	vld [tilespmem:s28+$0x30];
	[tilespmem:v0+s29+$0x460 ss:$0x1] =	vst.idx.msk $0xffff, v46  }
0x84: {  	v52 =	vld [tilespmem:s28+$0x40];
	[tilespmem:v0+s29+$0x470 ss:$0x1] =	vst.idx.msk $0xffff, v47  }
0x85: {  	v53 =	vld [tilespmem:s28+$0x50];
	[tilespmem:v1+s29+$0xFFFFFC00 ss:$0x1] =	vst.idx.msk $0xffff, v48  }
0x86: {  	v54 =	vld [tilespmem:s28+$0x60];
	[tilespmem:v0+s29+$0x810 ss:$0x1] =	vst.idx.msk $0xffff, v49  }
0x87: {  	v55 =	vld [tilespmem:s28+$0x70];
	[tilespmem:v0+s29+$0x820 ss:$0x1] =	vst.idx.msk $0xffff, v50  }
0x88: {  	v56 =	vld [tilespmem:s28+$0x200];
	[tilespmem:v0+s29+$0x830 ss:$0x1] =	vst.idx.msk $0xffff, v51  }
0x89: {  	v57 =	vld [tilespmem:s28+$0x210];
	[tilespmem:v0+s29+$0x840 ss:$0x1] =	vst.idx.msk $0xffff, v52  }
0x8a: {  	v58 =	vld [tilespmem:s28+$0x220];
	[tilespmem:v0+s29+$0x850 ss:$0x1] =	vst.idx.msk $0xffff, v53  }
0x8b: {  	v59 =	vld [tilespmem:s28+$0x230];
	[tilespmem:v0+s29+$0x860 ss:$0x1] =	vst.idx.msk $0xffff, v54  }
0x8c: {  	v60 =	vld [tilespmem:s28+$0x240];
	[tilespmem:v0+s29+$0x870 ss:$0x1] =	vst.idx.msk $0xffff, v55  }
0x8d: {  	v61 =	vld [tilespmem:s28+$0x250];
	[tilespmem:v1+s29+$0x0 ss:$0x1] =	vst.idx.msk $0xffff, v56  }
0x8e: {  	v62 =	vld [tilespmem:s28+$0x260];
	s26 =	sadd.s32 $0x1, s26;
	[tilespmem:v0+s29+$0xC10 ss:$0x1] =	vst.idx.msk $0xffff, v57  }
0x8f: {  	v63 =	vld [tilespmem:s28+$0xFFFFFC00];
	p0 =	sne.s32 s26, $0x8;
	[tilespmem:v0+s29+$0xC20 ss:$0x1] =	vst.idx.msk $0xffff, v58  }
.Ltmp4:
0x90: {  	[tilespmem:v0+s29+$0xC30 ss:$0x1] =	vst.idx.msk $0xffff, v59;
	(pc) =	sbr.rel @p0 .LBB1_3-.Ltmp4, $4  }
0x91: {  	[tilespmem:v0+s29+$0xC40 ss:$0x1] =	vst.idx.msk $0xffff, v60  }
0x92: {  	[tilespmem:v0+s29+$0xC50 ss:$0x1] =	vst.idx.msk $0xffff, v61  }
0x93: {  	s21 =	sadd.s32 $0x800, s21;
	[tilespmem:v0+s29+$0xC60 ss:$0x1] =	vst.idx.msk $0xffff, v62  }
0x94: {  	s25 =	sadd.s32 $0x80, s25;
	s24 =	sadd.s32 $0x1, s24;
	s22 =	sadd.s32 $0x80, s22;
	[tilespmem:v0+s29+$0x0 ss:$0x1] =	vst.idx.msk $0xffff, v63  }
0x95: {  	s19 =	sshll.u32 s19, $0x7  }
0x96: {  	s21 =	sand.u32 $0x78, s16;
	s18 =	sshll.u32 s18, $0x14;
	s17 =	sshll.u32 s17, $0x12  }
0x97: {  	s30 =	sand.u32 $0x7, s16;
	s22 =	sand.u32 $0x380, s19;
	s19 =	sand.u32 $0x3FC00, s19  }
.Ltmp5:
0x98: {  	s18 =	sadd.s32 s5, s18;
	s21 =	sor.u32 s22, s21;
	(pc) =	sbr.rel .LBB1_7-.Ltmp5, $4  }
0x99: {  	s19 =	sadd.s32 s16, s19;
	s17 =	sadd.s32 s17, s18;
	s21 =	sshrl.u32 s21, $0x3  }
0x9a: {  	s16 =	sshll.u32 s30, $0x12;
	s31 =	sand.u32 $0x3FF80, s19;
	s17 =	sadd.s32 s21, s17  }
0x9b: {  	s16 =	sor.u32 $0x1000, s16;
	s17 =	sadd.s32 s31, s17  }
0x9c: {  	[hbm4b:s17+s16] =	stream.strided.scatter [tilespmem:s20], [sflag:$0x2], $0x4000, s9, s16, $0x38;
	[tilespmem:$0x10000] =	vst v63  }
.LBB1_8:
0x9d: {  	_ =	sfence.sel $0x180000  }
0x9e: {  	s1 =	simm.s32 $0x1;
	[bflag:$0x0] =	sbarrier.arrive $0xFFFF  }
0x9f: {  	s31 =	simm.s32 $0x2;
	[sflag:s1] =	ssyncpa.u1 $0x1  }
0xa0: {  	[sflag:s31] =	ssyncpa.u1 $0x1  }
0xa1: {  	p0 =	sne.s32 s0, $0x0;
	_ =	strace $0x90000053  }
0xa2: {  	s0 =	sadd.s32 @!p0 $0x100000, s4;
	[bflag:$0x2] =	sbarrier.arrive $0xFFFF  }
0xa3: {  	[sflag:s0] =	ssyncadd.tile.s32 @!p0 $0x1;
	_ =	shalt  }
.Lfunc_end1:
_tile_overlayer_lowered:
.L_overlay_start_2:
0xa4: {  	(tag) =	ssettag $0x2  }
0xa5: {  	s0 =	rddreg [dreg:$0x0];
	s2 =	stileid.u32  }
0xa6: {  	s1 =	rddreg [dreg:$0x1];
	p0 =	sne.s32 s2, $0x0  }
0xa7: {  	s3 =	rddreg [dreg:$0x2];
	[bflag:$0x3] =	sbarrier.arrive $0xFFFF;
	s2 =	simm.s32 @!p0 $0x1C01  }
0xa8: {  	[timem:s3], [sflag:s2] =	dma.local @!p0 [hbm:s0], s1  }
0xa9: {  	s0 =	simm.s32 @!p0 $0x1  }
0xaa: {  	_ =	swait.ge @!p0 [sflag:s0], s1  }
0xab: {  	s1 =	ssub.s32 @!p0 $0x0, s1;
	[sflag:s0] =	ssyncset.done @!p0 $0x0  }
0xac: {  	[sflag:s0] =	ssyncadd.s32 @!p0 s1  }
0xad: {  	[bflag:$0x3] =	sbarrier.arrive $0xFFFF  }
0xae: {  	_ =	shalt  }

</sc_bundles>
